<compile_context>
chip_gen: v7x
topology: tpu7x:2x2x1
jax: 0.10.2.dev20260603
libtpu: 0.0.44.dev20260713+nightly
codegen_flags: <defaults>
</compile_context>

<pallas_src>
import functools

import jax
import jax.numpy as jnp
from jax import lax
from jax.experimental import pallas as pl
from jax.experimental.pallas import tpu as pltpu
from jax.experimental.pallas import tpu_sc as plsc

D_MODEL = 2048
ID_DIM = 4096
W_DIM = D_MODEL * D_MODEL

NC = 2
NS = 16
L = 16

NUM_CHUNKS = 4
R_CHUNK = W_DIM // NUM_CHUNKS
BE = 4096
TRASH = 4096


def _sc_scatter_build(nnz_w, eb):
    per_tile_w = nnz_w // NS
    n_blocks = per_tile_w // BE
    n_pairs = n_blocks // 2
    stripe = R_CHUNK // NS
    eb2 = eb // 2
    mesh = plsc.VectorSubcoreMesh(core_axis_name="c", subcore_axis_name="s",
                                  num_cores=NC, num_subcores=NS)

    @functools.partial(
        pl.kernel,
        out_type=[
            jax.ShapeDtypeStruct((W_DIM,), jnp.float32),
            jax.ShapeDtypeStruct((NC, D_MODEL), jnp.float32),
        ],
        mesh=mesh,
        compiler_params=pltpu.CompilerParams(needs_layout_passes=False),
        scratch_types=[
            pltpu.VMEM((ID_DIM,), jnp.float32),
            pltpu.VMEM((BE,), jnp.int32),
            pltpu.VMEM((BE,), jnp.int32),
            pltpu.VMEM((BE,), jnp.float32),
            pltpu.VMEM((BE,), jnp.int32),
            pltpu.VMEM((BE,), jnp.int32),
            pltpu.VMEM((BE,), jnp.float32),
            pltpu.VMEM((BE,), jnp.int32),
            pltpu.VMEM((BE,), jnp.float32),
            pltpu.VMEM((BE,), jnp.int32),
            pltpu.VMEM((BE,), jnp.float32),
            pltpu.VMEM((eb2,), jnp.int32),
            pltpu.VMEM((eb2,), jnp.int32),
            pltpu.VMEM((eb2,), jnp.float32),
            pltpu.VMEM((eb2,), jnp.int32),
            pltpu.VMEM((eb2,), jnp.float32),
            pltpu.VMEM_SHARED((R_CHUNK + TRASH,), jnp.float32),
            pltpu.VMEM_SHARED((D_MODEL,), jnp.float32),
            pltpu.SemaphoreType.DMA,
            pltpu.SemaphoreType.DMA,
            pltpu.SemaphoreType.DMA,
            pltpu.SemaphoreType.DMA,
        ],
    )
    def sc_kernel(v_hbm, w0_hbm, rows_hbm, cols_hbm, vals_hbm,
                  brows_hbm, bcols_hbm, bvals_hbm, zeros_hbm,
                  w_out, pb_out,
                  v_v, rows0_v, cols0_v, vals0_v, rows1_v, cols1_v, vals1_v,
                  idx0_v, val0_v, idx1_v, val1_v,
                  brows_v, bcols_v, bvals_v, bidx_v, bval_v,
                  wacc_s, bacc_s,
                  in_sem0, in_sem1, sc_sem0, sc_sem1):
        cid = lax.axis_index("c")
        sid = lax.axis_index("s")
        insets = ((rows0_v, cols0_v, vals0_v, in_sem0),
                  (rows1_v, cols1_v, vals1_v, in_sem1))
        stsets = ((idx0_v, val0_v, sc_sem0), (idx1_v, val1_v, sc_sem1))

        pltpu.sync_copy(v_hbm, v_v)

        @pl.when(sid == 0)
        def _():
            pltpu.sync_copy(zeros_hbm, bacc_s)

        def start_in(blk, s):
            rb, cb, vb, sem = insets[s]
            estart = sid * per_tile_w + blk * BE
            pltpu.async_copy(rows_hbm.at[pl.ds(estart, BE)], rb, sem)
            pltpu.async_copy(cols_hbm.at[pl.ds(estart, BE)], cb, sem)
            pltpu.async_copy(vals_hbm.at[pl.ds(estart, BE)], vb, sem)

        def wait_in(blk, s):
            rb, cb, vb, sem = insets[s]
            estart = sid * per_tile_w + blk * BE
            pltpu.make_async_copy(rows_hbm.at[pl.ds(estart, BE)], rb, sem).wait()
            pltpu.make_async_copy(cols_hbm.at[pl.ds(estart, BE)], cb, sem).wait()
            pltpu.make_async_copy(vals_hbm.at[pl.ds(estart, BE)], vb, sem).wait()

        def scan_chunk(base):
            start_in(0, 0)
            start_in(1, 1)

            def pair(p, carry):
                for s in range(2):
                    blk = 2 * p + s
                    rb, cb, vb, _ = insets[s]
                    ib, wb, ssem = stsets[s]
                    wait_in(blk, s)

                    @pl.when(p >= 1)
                    def _():
                        pltpu.make_async_copy(wb, wacc_s.at[ib], ssem).wait()

                    @plsc.parallel_loop(0, BE, L, unroll=8)
                    def _(off):
                        r16 = rb[pl.ds(off, L)]
                        c16 = cb[pl.ds(off, L)]
                        a16 = vb[pl.ds(off, L)]
                        vv = plsc.load_gather(v_v, [c16])
                        li = r16 - base
                        inb = (li >= 0) & (li < R_CHUNK)
                        trash = R_CHUNK + (r16 & (TRASH - 1))
                        ib[pl.ds(off, L)] = jnp.where(inb, li, trash)
                        wb[pl.ds(off, L)] = a16 * vv

                    pltpu.async_copy(wb, wacc_s.at[ib], ssem, add=True)

                    @pl.when(p < n_pairs - 1)
                    def _():
                        start_in(blk + 2, s)
                return carry

            lax.fori_loop(0, n_pairs, pair, 0)
            for s in range(2):
                ib, wb, ssem = stsets[s]
                pltpu.make_async_copy(wb, wacc_s.at[ib], ssem).wait()

        for chunk_i in range(NUM_CHUNKS // NC):
            base = (cid * (NUM_CHUNKS // NC) + chunk_i) * R_CHUNK
            pltpu.sync_copy(w0_hbm.at[pl.ds(base + sid * stripe, stripe)],
                            wacc_s.at[pl.ds(sid * stripe, stripe)])
            plsc.subcore_barrier()
            scan_chunk(base)
            plsc.subcore_barrier()
            pltpu.sync_copy(wacc_s.at[pl.ds(sid * stripe, stripe)],
                            w_out.at[pl.ds(base + sid * stripe, stripe)])
            plsc.subcore_barrier()

        wid = sid * NC + cid
        for q in range(2):
            bstart = wid * eb + q * eb2
            pltpu.sync_copy(brows_hbm.at[pl.ds(bstart, eb2)], brows_v)
            pltpu.sync_copy(bcols_hbm.at[pl.ds(bstart, eb2)], bcols_v)
            pltpu.sync_copy(bvals_hbm.at[pl.ds(bstart, eb2)], bvals_v)

            def bgrp(g, c):
                off = g * L
                r16 = brows_v[pl.ds(off, L)]
                c16 = bcols_v[pl.ds(off, L)]
                a16 = bvals_v[pl.ds(off, L)]
                vv = plsc.load_gather(v_v, [c16])
                bidx_v[pl.ds(off, L)] = r16
                bval_v[pl.ds(off, L)] = a16 * vv
                return c

            lax.fori_loop(0, eb2 // L, bgrp, 0)
            pltpu.sync_copy(bval_v, bacc_s.at[bidx_v], add=True)
        plsc.subcore_barrier()

        @pl.when(sid == 0)
        def _():
            pltpu.sync_copy(bacc_s, pb_out.at[cid])

    return sc_kernel


def _mm_block(x_ref, w_ref, b0_ref, pb_ref, o_ref):
    b = b0_ref[0] + pb_ref[0] + pb_ref[1]
    o_ref[...] = lax.dot_general(
        x_ref[...], w_ref[...], (((1,), (1,)), ((), ())),
        preferred_element_type=jnp.float32) + b[None, :]


def _matmul(x, w, b0, pb):
    n_tok, d = x.shape
    bm, bn = 1024, 1024
    grid = (d // bn, n_tok // bm)
    return pl.pallas_call(
        _mm_block,
        grid=grid,
        in_specs=[
            pl.BlockSpec((bm, d), lambda j, i: (i, 0)),
            pl.BlockSpec((bn, d), lambda j, i: (j, 0)),
            pl.BlockSpec((1, bn), lambda j, i: (0, j)),
            pl.BlockSpec((NC, bn), lambda j, i: (0, j)),
        ],
        out_specs=pl.BlockSpec((bm, bn), lambda j, i: (i, j)),
        out_shape=jax.ShapeDtypeStruct((n_tok, d), jnp.float32),
    )(x, w, b0, pb)


def kernel(x, V, W0, b0, rows_w, cols_w, vals_w, rows_b, cols_b, vals_b):
    v = V[:, 0]
    nnz_w = rows_w.shape[0]
    nnz_b = rows_b.shape[0]

    nw = NC * NS
    eb = -(-nnz_b // (nw * 2 * L)) * 2 * L
    pad = nw * eb - nnz_b
    rbp = jnp.concatenate([rows_b, jnp.zeros((pad,), rows_b.dtype)])
    cbp = jnp.concatenate([cols_b, jnp.zeros((pad,), cols_b.dtype)])
    vbp = jnp.concatenate([vals_b, jnp.zeros((pad,), vals_b.dtype)])

    sc = _sc_scatter_build(nnz_w, eb)
    w_full, pb = sc(v, W0.reshape(-1), rows_w, cols_w, vals_w,
                    rbp, cbp, vbp, jnp.zeros((D_MODEL,), jnp.float32))
    return _matmul(x, w_full.reshape(D_MODEL, D_MODEL), b0.reshape(1, -1), pb)

# --- scband reference (transcript-rebuilt; emitter-appended) ---
"""Pipeline reference for scband-sparse-wrap-24412594110851 (READ-ONLY COPY).

The authoritative reference and input builder live on the scoring server;
editing this copy changes nothing except your own understanding.
"""

import jax, jax.numpy as jnp
import numpy as np

D_MODEL = 2048
ID = 4096
N_TOK = 8192
W_DIM = D_MODEL * D_MODEL
B_DIM = D_MODEL


def _srp(weight_dim, n_components, seed):
    # sklearn SparseRandomProjection-style matrix: density = 1/sqrt(weight_dim),
    # nonzeros are +/- sqrt(1/density)/sqrt(n_components), stored as COO (rows, cols, vals)
    rng = np.random.default_rng(seed)
    density = 1.0 / np.sqrt(weight_dim)
    nnz = int(weight_dim * n_components * density)
    rows = rng.integers(0, weight_dim, size=nnz).astype(np.int32)
    cols = rng.integers(0, n_components, size=nnz).astype(np.int32)
    scale = np.sqrt(1.0 / density) / np.sqrt(n_components)
    signs = rng.integers(0, 2, size=nnz).astype(np.float32) * 2.0 - 1.0
    vals = (signs * scale).astype(np.float32)
    return rows, cols, vals


def setup_inputs(seed: int = 0) -> dict:
    key = jax.random.key(seed)
    k1, k2 = jax.random.split(key, 2)
    x = jax.random.normal(k1, (N_TOK, D_MODEL), dtype=jnp.float32)
    # initial_value of the wrapped Linear's parameters (constants, requires_grad=False)
    W0 = jax.random.normal(k2, (D_MODEL, D_MODEL), dtype=jnp.float32) * 0.02
    b0 = jnp.zeros((D_MODEL,), dtype=jnp.float32)
    # intrinsic-dimension parameter V, initialized to zeros as in the torch module
    V = jnp.zeros((ID, 1), dtype=jnp.float32)
    rw, cw, vw = _srp(W_DIM, ID, 1)
    rb, cb, vb = _srp(B_DIM, ID, 2)
    return {
        "x": x, "V": V, "W0": W0, "b0": b0,
        "rows_w": jnp.asarray(rw), "cols_w": jnp.asarray(cw), "vals_w": jnp.asarray(vw),
        "rows_b": jnp.asarray(rb), "cols_b": jnp.asarray(cb), "vals_b": jnp.asarray(vb),
    }


def reference(x, V, W0, b0, rows_w, cols_w, vals_w, rows_b, cols_b, vals_b):
    # ray = sparse_mm(M, V): gather V rows by COO cols, scale by vals, scatter-add into weight slots
    v = V[:, 0]
    ray_w = jax.ops.segment_sum(vals_w * jnp.take(v, cols_w), rows_w, num_segments=W_DIM)
    W = W0 + ray_w.reshape(D_MODEL, D_MODEL)
    ray_b = jax.ops.segment_sum(vals_b * jnp.take(v, cols_b), rows_b, num_segments=B_DIM)
    b = b0 + ray_b
    # wrapped nn.Linear forward: y = x @ W.T + b
    return x @ W.T + b

if __name__ == "__main__":
    import jax
    _d = setup_inputs()
    print(jax.jit(kernel)(*tuple(_d.values())))

</pallas_src>

<mosaic_0001>
#map = affine_map<(d0, d1) -> (0)>
#map1 = affine_map<(d0, d1) -> (0, 0)>
module attributes {stable_mosaic.version = 14 : i64} {
  func.func @sc_kernel(%arg0: i32, %arg1: i32, %arg2: memref<4096xf32, #tpu.memory_space<hbm>>, %arg3: memref<4194304xf32, #tpu.memory_space<hbm>>, %arg4: memref<8388608xi32, #tpu.memory_space<hbm>>, %arg5: memref<8388608xi32, #tpu.memory_space<hbm>>, %arg6: memref<8388608xf32, #tpu.memory_space<hbm>>, %arg7: memref<186368xi32, #tpu.memory_space<hbm>>, %arg8: memref<186368xi32, #tpu.memory_space<hbm>>, %arg9: memref<186368xf32, #tpu.memory_space<hbm>>, %arg10: memref<2048xf32, #tpu.memory_space<hbm>>, %arg11: memref<4194304xf32, #tpu.memory_space<hbm>>, %arg12: memref<2x2048xf32, #tpu.memory_space<hbm>>, %arg13: memref<4096xf32, #tpu.memory_space<vmem>>, %arg14: memref<4096xi32, #tpu.memory_space<vmem>>, %arg15: memref<4096xi32, #tpu.memory_space<vmem>>, %arg16: memref<4096xf32, #tpu.memory_space<vmem>>, %arg17: memref<4096xi32, #tpu.memory_space<vmem>>, %arg18: memref<4096xi32, #tpu.memory_space<vmem>>, %arg19: memref<4096xf32, #tpu.memory_space<vmem>>, %arg20: memref<4096xi32, #tpu.memory_space<vmem>>, %arg21: memref<4096xf32, #tpu.memory_space<vmem>>, %arg22: memref<4096xi32, #tpu.memory_space<vmem>>, %arg23: memref<4096xf32, #tpu.memory_space<vmem>>, %arg24: memref<2912xi32, #tpu.memory_space<vmem>>, %arg25: memref<2912xi32, #tpu.memory_space<vmem>>, %arg26: memref<2912xf32, #tpu.memory_space<vmem>>, %arg27: memref<2912xi32, #tpu.memory_space<vmem>>, %arg28: memref<2912xf32, #tpu.memory_space<vmem>>, %arg29: memref<1052672xf32, #tpu.memory_space<vmem_shared>>, %arg30: memref<2048xf32, #tpu.memory_space<vmem_shared>>, %arg31: memref<!tpu.dma_semaphore, #tpu.memory_space<semaphore_mem>>, %arg32: memref<!tpu.dma_semaphore, #tpu.memory_space<semaphore_mem>>, %arg33: memref<!tpu.dma_semaphore, #tpu.memory_space<semaphore_mem>>, %arg34: memref<!tpu.dma_semaphore, #tpu.memory_space<semaphore_mem>>) attributes {dimension_semantics = [#tpu.dimension_semantics<core_parallel>, #tpu.dimension_semantics<subcore_parallel>], iteration_bounds = array<i64: 2, 16>, scalar_prefetch = 0 : i64, scratch_operands = 22 : i64, tpu.core_type = #tpu.core_type<sc_vector_subcore>, window_params = [{transform_indices = #map}, {transform_indices = #map}, {transform_indices = #map}, {transform_indices = #map}, {transform_indices = #map}, {transform_indices = #map}, {transform_indices = #map}, {transform_indices = #map}, {transform_indices = #map}, {transform_indices = #map}, {transform_indices = #map1}]} {
    "tpu.region"() ({
      %run_scoped3A = tpu.sem_alloc : memref<!tpu.dma_semaphore, #tpu.memory_space<semaphore_mem>>
      tpu.enqueue_dma source(%arg2 : memref<4096xf32, #tpu.memory_space<hbm>>) target(%arg13 : memref<4096xf32, #tpu.memory_space<vmem>>) target_semaphore(%run_scoped3A : memref<!tpu.dma_semaphore, #tpu.memory_space<semaphore_mem>>)
      tpu.wait_dma2 semaphore(%run_scoped3A : memref<!tpu.dma_semaphore, #tpu.memory_space<semaphore_mem>>) src(%arg2 : memref<4096xf32, #tpu.memory_space<hbm>>) dst(%arg13 : memref<4096xf32, #tpu.memory_space<vmem>>)
      tpu.yield
    }) : () -> ()
    %eq3A = arith.constant 0 : i32
    %eq3A_0 = arith.cmpi eq, %arg1, %eq3A : i32
    %convert_element_type3A = arith.extui %eq3A_0 : i1 to i32
    %cond3A = arith.constant 0 : i32
    %cond3A_1 = arith.cmpi ne, %convert_element_type3A, %cond3A : i32
    scf.if %cond3A_1 {
      "tpu.region"() ({
        %run_scoped3A = tpu.sem_alloc : memref<!tpu.dma_semaphore, #tpu.memory_space<semaphore_mem>>
        tpu.enqueue_dma source(%arg10 : memref<2048xf32, #tpu.memory_space<hbm>>) target(%arg30 : memref<2048xf32, #tpu.memory_space<vmem_shared>>) target_semaphore(%run_scoped3A : memref<!tpu.dma_semaphore, #tpu.memory_space<semaphore_mem>>)
        tpu.wait_dma2 semaphore(%run_scoped3A : memref<!tpu.dma_semaphore, #tpu.memory_space<semaphore_mem>>) src(%arg10 : memref<2048xf32, #tpu.memory_space<hbm>>) dst(%arg30 : memref<2048xf32, #tpu.memory_space<vmem_shared>>)
        tpu.yield
      }) : () -> ()
    } else {
    }
    %mul3A = arith.constant 2 : i32
    %mul3A_2 = arith.muli %arg0, %mul3A : i32
    %add3A = arith.constant 0 : i32
    %add3A_3 = arith.addi %mul3A_2, %add3A : i32
    %mul3A_4 = arith.constant 1048576 : i32
    %mul3A_5 = arith.muli %add3A_3, %mul3A_4 : i32
    %mul3A_6 = arith.constant 65536 : i32
    %mul3A_7 = arith.muli %arg1, %mul3A_6 : i32
    %add3A_8 = arith.addi %mul3A_5, %mul3A_7 : i32
    %mul3A_9 = arith.constant 65536 : i32
    %mul3A_10 = arith.muli %arg1, %mul3A_9 : i32
    "tpu.region"() ({
      %run_scoped3A = tpu.sem_alloc : memref<!tpu.dma_semaphore, #tpu.memory_space<semaphore_mem>>
      %dma_start3A_123 = tpu.memref_slice %arg29[%mul3A_10] : memref<1052672xf32, #tpu.memory_space<vmem_shared>> -> memref<65536xf32, #tpu.memory_space<vmem_shared>>
      %dma_start3A_124 = tpu.memref_slice %arg3[%add3A_8] : memref<4194304xf32, #tpu.memory_space<hbm>> -> memref<65536xf32, #tpu.memory_space<hbm>>
      tpu.enqueue_dma source(%dma_start3A_124 : memref<65536xf32, #tpu.memory_space<hbm>>) target(%dma_start3A_123 : memref<65536xf32, #tpu.memory_space<vmem_shared>>) target_semaphore(%run_scoped3A : memref<!tpu.dma_semaphore, #tpu.memory_space<semaphore_mem>>)
      %dma_wait3A_125 = tpu.memref_slice %arg29[%mul3A_10] : memref<1052672xf32, #tpu.memory_space<vmem_shared>> -> memref<65536xf32, #tpu.memory_space<vmem_shared>>
      %dma_wait3A_126 = tpu.memref_slice %arg3[%add3A_8] : memref<4194304xf32, #tpu.memory_space<hbm>> -> memref<65536xf32, #tpu.memory_space<hbm>>
      tpu.wait_dma2 semaphore(%run_scoped3A : memref<!tpu.dma_semaphore, #tpu.memory_space<semaphore_mem>>) src(%dma_wait3A_126 : memref<65536xf32, #tpu.memory_space<hbm>>) dst(%dma_wait3A_125 : memref<65536xf32, #tpu.memory_space<vmem_shared>>)
      tpu.yield
    }) : () -> ()
    %barrier3A = arith.constant 0 : index
    tpu.barrier barrier_id(%barrier3A)
    %mul3A_11 = arith.constant 524288 : i32
    %mul3A_12 = arith.muli %arg1, %mul3A_11 : i32
    %add3A_13 = arith.constant 0 : i32
    %add3A_14 = arith.addi %mul3A_12, %add3A_13 : i32
    %dma_start3A = tpu.memref_slice %arg4[%add3A_14] : memref<8388608xi32, #tpu.memory_space<hbm>> -> memref<4096xi32, #tpu.memory_space<hbm>>
    %dma_start3A_15 = tpu.memref_slice %arg4[%add3A_14] : memref<8388608xi32, #tpu.memory_space<hbm>> -> memref<4096xi32, #tpu.memory_space<hbm>>
    tpu.enqueue_dma source(%dma_start3A_15 : memref<4096xi32, #tpu.memory_space<hbm>>) target(%arg14 : memref<4096xi32, #tpu.memory_space<vmem>>) target_semaphore(%arg31 : memref<!tpu.dma_semaphore, #tpu.memory_space<semaphore_mem>>)
    %dma_start3A_16 = tpu.memref_slice %arg5[%add3A_14] : memref<8388608xi32, #tpu.memory_space<hbm>> -> memref<4096xi32, #tpu.memory_space<hbm>>
    %dma_start3A_17 = tpu.memref_slice %arg5[%add3A_14] : memref<8388608xi32, #tpu.memory_space<hbm>> -> memref<4096xi32, #tpu.memory_space<hbm>>
    tpu.enqueue_dma source(%dma_start3A_17 : memref<4096xi32, #tpu.memory_space<hbm>>) target(%arg15 : memref<4096xi32, #tpu.memory_space<vmem>>) target_semaphore(%arg31 : memref<!tpu.dma_semaphore, #tpu.memory_space<semaphore_mem>>)
    %dma_start3A_18 = tpu.memref_slice %arg6[%add3A_14] : memref<8388608xf32, #tpu.memory_space<hbm>> -> memref<4096xf32, #tpu.memory_space<hbm>>
    %dma_start3A_19 = tpu.memref_slice %arg6[%add3A_14] : memref<8388608xf32, #tpu.memory_space<hbm>> -> memref<4096xf32, #tpu.memory_space<hbm>>
    tpu.enqueue_dma source(%dma_start3A_19 : memref<4096xf32, #tpu.memory_space<hbm>>) target(%arg16 : memref<4096xf32, #tpu.memory_space<vmem>>) target_semaphore(%arg31 : memref<!tpu.dma_semaphore, #tpu.memory_space<semaphore_mem>>)
    %mul3A_20 = arith.constant 524288 : i32
    %mul3A_21 = arith.muli %arg1, %mul3A_20 : i32
    %add3A_22 = arith.constant 4096 : i32
    %add3A_23 = arith.addi %mul3A_21, %add3A_22 : i32
    %dma_start3A_24 = tpu.memref_slice %arg4[%add3A_23] : memref<8388608xi32, #tpu.memory_space<hbm>> -> memref<4096xi32, #tpu.memory_space<hbm>>
    %dma_start3A_25 = tpu.memref_slice %arg4[%add3A_23] : memref<8388608xi32, #tpu.memory_space<hbm>> -> memref<4096xi32, #tpu.memory_space<hbm>>
    tpu.enqueue_dma source(%dma_start3A_25 : memref<4096xi32, #tpu.memory_space<hbm>>) target(%arg17 : memref<4096xi32, #tpu.memory_space<vmem>>) target_semaphore(%arg32 : memref<!tpu.dma_semaphore, #tpu.memory_space<semaphore_mem>>)
    %dma_start3A_26 = tpu.memref_slice %arg5[%add3A_23] : memref<8388608xi32, #tpu.memory_space<hbm>> -> memref<4096xi32, #tpu.memory_space<hbm>>
    %dma_start3A_27 = tpu.memref_slice %arg5[%add3A_23] : memref<8388608xi32, #tpu.memory_space<hbm>> -> memref<4096xi32, #tpu.memory_space<hbm>>
    tpu.enqueue_dma source(%dma_start3A_27 : memref<4096xi32, #tpu.memory_space<hbm>>) target(%arg18 : memref<4096xi32, #tpu.memory_space<vmem>>) target_semaphore(%arg32 : memref<!tpu.dma_semaphore, #tpu.memory_space<semaphore_mem>>)
    %dma_start3A_28 = tpu.memref_slice %arg6[%add3A_23] : memref<8388608xf32, #tpu.memory_space<hbm>> -> memref<4096xf32, #tpu.memory_space<hbm>>
    %dma_start3A_29 = tpu.memref_slice %arg6[%add3A_23] : memref<8388608xf32, #tpu.memory_space<hbm>> -> memref<4096xf32, #tpu.memory_space<hbm>>
    tpu.enqueue_dma source(%dma_start3A_29 : memref<4096xf32, #tpu.memory_space<hbm>>) target(%arg19 : memref<4096xf32, #tpu.memory_space<vmem>>) target_semaphore(%arg32 : memref<!tpu.dma_semaphore, #tpu.memory_space<semaphore_mem>>)
    %scan3A = arith.constant 0 : i32
    %scan3A_30 = arith.constant 0 : i32
    %scan3A_31 = arith.constant 64 : i32
    %scan3A_32 = arith.addi %scan3A_30, %scan3A_31 : i32
    %scan3A_33 = arith.constant 1 : i32
    scf.for %scan3A_123 = %scan3A_30 to %scan3A_32 step %scan3A_33  : i32 {
      %mul3A_124 = arith.constant 2 : i32
      %mul3A_125 = arith.muli %mul3A_124, %scan3A_123 : i32
      %add3A_126 = arith.constant 0 : i32
      %add3A_127 = arith.addi %mul3A_125, %add3A_126 : i32
      %mul3A_128 = arith.constant 524288 : i32
      %mul3A_129 = arith.muli %arg1, %mul3A_128 : i32
      %mul3A_130 = arith.constant 4096 : i32
      %mul3A_131 = arith.muli %add3A_127, %mul3A_130 : i32
      %add3A_132 = arith.addi %mul3A_129, %mul3A_131 : i32
      %dma_wait3A_133 = tpu.memref_slice %arg4[%add3A_132] : memref<8388608xi32, #tpu.memory_space<hbm>> -> memref<4096xi32, #tpu.memory_space<hbm>>
      %dma_wait3A_134 = tpu.memref_slice %arg4[%add3A_132] : memref<8388608xi32, #tpu.memory_space<hbm>> -> memref<4096xi32, #tpu.memory_space<hbm>>
      tpu.wait_dma2 semaphore(%arg31 : memref<!tpu.dma_semaphore, #tpu.memory_space<semaphore_mem>>) src(%dma_wait3A_134 : memref<4096xi32, #tpu.memory_space<hbm>>) dst(%arg14 : memref<4096xi32, #tpu.memory_space<vmem>>)
      %dma_wait3A_135 = tpu.memref_slice %arg5[%add3A_132] : memref<8388608xi32, #tpu.memory_space<hbm>> -> memref<4096xi32, #tpu.memory_space<hbm>>
      %dma_wait3A_136 = tpu.memref_slice %arg5[%add3A_132] : memref<8388608xi32, #tpu.memory_space<hbm>> -> memref<4096xi32, #tpu.memory_space<hbm>>
      tpu.wait_dma2 semaphore(%arg31 : memref<!tpu.dma_semaphore, #tpu.memory_space<semaphore_mem>>) src(%dma_wait3A_136 : memref<4096xi32, #tpu.memory_space<hbm>>) dst(%arg15 : memref<4096xi32, #tpu.memory_space<vmem>>)
      %dma_wait3A_137 = tpu.memref_slice %arg6[%add3A_132] : memref<8388608xf32, #tpu.memory_space<hbm>> -> memref<4096xf32, #tpu.memory_space<hbm>>
      %dma_wait3A_138 = tpu.memref_slice %arg6[%add3A_132] : memref<8388608xf32, #tpu.memory_space<hbm>> -> memref<4096xf32, #tpu.memory_space<hbm>>
      tpu.wait_dma2 semaphore(%arg31 : memref<!tpu.dma_semaphore, #tpu.memory_space<semaphore_mem>>) src(%dma_wait3A_138 : memref<4096xf32, #tpu.memory_space<hbm>>) dst(%arg16 : memref<4096xf32, #tpu.memory_space<vmem>>)
      %ge3A = arith.constant 1 : i32
      %ge3A_139 = arith.cmpi sge, %scan3A_123, %ge3A : i32
      %convert_element_type3A_140 = arith.extui %ge3A_139 : i1 to i32
      %cond3A_141 = arith.constant 0 : i32
      %cond3A_142 = arith.cmpi ne, %convert_element_type3A_140, %cond3A_141 : i32
      scf.if %cond3A_142 {
        %dma_wait3A_181 = arith.constant 0 : i32
        %dma_wait3A_182 = tpu.memref_slice %arg29[%dma_wait3A_181] : memref<1052672xf32, #tpu.memory_space<vmem_shared>> -> memref<1052672xf32, #tpu.memory_space<vmem_shared>>
        tpu.wait_indirect_dma semaphore(%arg33 : memref<!tpu.dma_semaphore, #tpu.memory_space<semaphore_mem>>) src(%arg21 : memref<4096xf32, #tpu.memory_space<vmem>>) dst(%dma_wait3A_182 : memref<1052672xf32, #tpu.memory_space<vmem_shared>>)
      } else {
      }
      %parallel_loop3A = arith.constant 0 : i32
      %parallel_loop3A_143 = arith.constant 4096 : i32
      %parallel_loop3A_144 = arith.constant 16 : i32
      scf.for %parallel_loop3A_181 = %parallel_loop3A to %parallel_loop3A_143 step %parallel_loop3A_144  : i32 {
        %parallel_loop3A_182 = arith.index_cast %parallel_loop3A_181 : i32 to index
        %parallel_loop3A_183 = tpu.vector_load %arg14[%parallel_loop3A_182] {strides = array<i32>} : memref<4096xi32, #tpu.memory_space<vmem>>, vector<16xi32>,
        %parallel_loop3A_184 = arith.index_cast %parallel_loop3A_181 : i32 to index
        %parallel_loop3A_185 = tpu.vector_load %arg15[%parallel_loop3A_184] {strides = array<i32>} : memref<4096xi32, #tpu.memory_space<vmem>>, vector<16xi32>,
        %parallel_loop3A_186 = arith.index_cast %parallel_loop3A_181 : i32 to index
        %parallel_loop3A_187 = tpu.vector_load %arg16[%parallel_loop3A_186] {strides = array<i32>} : memref<4096xf32, #tpu.memory_space<vmem>>, vector<16xf32>,
        %parallel_loop3A_188 = tpu.vector_load_idx %arg13[%parallel_loop3A_185] : memref<4096xf32, #tpu.memory_space<vmem>>[vector<16xi32>], vector<16xf32>,
        %parallel_loop3A_189 = vector.broadcast %mul3A_5 : i32 to vector<16xi32>
        %parallel_loop3A_190 = arith.subi %parallel_loop3A_183, %parallel_loop3A_189 : vector<16xi32>
        %parallel_loop3A_191 = arith.constant 0 : i32
        %parallel_loop3A_192 = vector.broadcast %parallel_loop3A_191 : i32 to vector<16xi32>
        %parallel_loop3A_193 = arith.cmpi sge, %parallel_loop3A_190, %parallel_loop3A_192 : vector<16xi32>
        %parallel_loop3A_194 = arith.constant 1048576 : i32
        %parallel_loop3A_195 = vector.broadcast %parallel_loop3A_194 : i32 to vector<16xi32>
        %parallel_loop3A_196 = arith.cmpi slt, %parallel_loop3A_190, %parallel_loop3A_195 : vector<16xi32>
        %parallel_loop3A_197 = arith.andi %parallel_loop3A_193, %parallel_loop3A_196 : vector<16xi1>
        %parallel_loop3A_198 = arith.constant 4095 : i32
        %parallel_loop3A_199 = vector.broadcast %parallel_loop3A_198 : i32 to vector<16xi32>
        %parallel_loop3A_200 = arith.andi %parallel_loop3A_183, %parallel_loop3A_199 : vector<16xi32>
        %parallel_loop3A_201 = arith.constant 1048576 : i32
        %parallel_loop3A_202 = vector.broadcast %parallel_loop3A_201 : i32 to vector<16xi32>
        %parallel_loop3A_203 = arith.addi %parallel_loop3A_202, %parallel_loop3A_200 : vector<16xi32>
        %parallel_loop3A_204 = arith.select %parallel_loop3A_197, %parallel_loop3A_190, %parallel_loop3A_203 : vector<16xi1>, vector<16xi32>
        %parallel_loop3A_205 = arith.index_cast %parallel_loop3A_181 : i32 to index
        %parallel_loop3A_206 = tpu.vector_load %arg20[%parallel_loop3A_205] {strides = array<i32>} : memref<4096xi32, #tpu.memory_space<vmem>>, vector<16xi32>,
        tpu.vector_store %arg20[%parallel_loop3A_205], %parallel_loop3A_204 {strides = array<i32>} : memref<4096xi32, #tpu.memory_space<vmem>>, vector<16xi32>,
        %parallel_loop3A_207 = arith.mulf %parallel_loop3A_187, %parallel_loop3A_188 : vector<16xf32>
        %parallel_loop3A_208 = arith.index_cast %parallel_loop3A_181 : i32 to index
        %parallel_loop3A_209 = tpu.vector_load %arg21[%parallel_loop3A_208] {strides = array<i32>} : memref<4096xf32, #tpu.memory_space<vmem>>, vector<16xf32>,
        tpu.vector_store %arg21[%parallel_loop3A_208], %parallel_loop3A_207 {strides = array<i32>} : memref<4096xf32, #tpu.memory_space<vmem>>, vector<16xf32>,
      } {sc.loop_unroll_factor = 8 : i64, sc.parallel_access}
      %dma_start3A_145 = arith.constant 0 : i32
      %dma_start3A_146 = tpu.memref_slice %arg29[%dma_start3A_145] : memref<1052672xf32, #tpu.memory_space<vmem_shared>> -> memref<1052672xf32, #tpu.memory_space<vmem_shared>>
      tpu.enqueue_indirect_dma source(%arg21 : memref<4096xf32, #tpu.memory_space<vmem>>) target(%dma_start3A_146 : memref<1052672xf32, #tpu.memory_space<vmem_shared>>) offsets(%arg20 : memref<4096xi32, #tpu.memory_space<vmem>>) semaphore(%arg33 : memref<!tpu.dma_semaphore, #tpu.memory_space<semaphore_mem>>) {add = true}
      %lt3A = arith.constant 63 : i32
      %lt3A_147 = arith.cmpi slt, %scan3A_123, %lt3A : i32
      %convert_element_type3A_148 = arith.extui %lt3A_147 : i1 to i32
      %cond3A_149 = arith.constant 0 : i32
      %cond3A_150 = arith.cmpi ne, %convert_element_type3A_148, %cond3A_149 : i32
      scf.if %cond3A_150 {
        %add3A_181 = arith.constant 2 : i32
        %add3A_182 = arith.addi %add3A_127, %add3A_181 : i32
        %mul3A_183 = arith.constant 524288 : i32
        %mul3A_184 = arith.muli %arg1, %mul3A_183 : i32
        %mul3A_185 = arith.constant 4096 : i32
        %mul3A_186 = arith.muli %add3A_182, %mul3A_185 : i32
        %add3A_187 = arith.addi %mul3A_184, %mul3A_186 : i32
        %dma_start3A_188 = tpu.memref_slice %arg4[%add3A_187] : memref<8388608xi32, #tpu.memory_space<hbm>> -> memref<4096xi32, #tpu.memory_space<hbm>>
        %dma_start3A_189 = tpu.memref_slice %arg4[%add3A_187] : memref<8388608xi32, #tpu.memory_space<hbm>> -> memref<4096xi32, #tpu.memory_space<hbm>>
        tpu.enqueue_dma source(%dma_start3A_189 : memref<4096xi32, #tpu.memory_space<hbm>>) target(%arg14 : memref<4096xi32, #tpu.memory_space<vmem>>) target_semaphore(%arg31 : memref<!tpu.dma_semaphore, #tpu.memory_space<semaphore_mem>>)
        %dma_start3A_190 = tpu.memref_slice %arg5[%add3A_187] : memref<8388608xi32, #tpu.memory_space<hbm>> -> memref<4096xi32, #tpu.memory_space<hbm>>
        %dma_start3A_191 = tpu.memref_slice %arg5[%add3A_187] : memref<8388608xi32, #tpu.memory_space<hbm>> -> memref<4096xi32, #tpu.memory_space<hbm>>
        tpu.enqueue_dma source(%dma_start3A_191 : memref<4096xi32, #tpu.memory_space<hbm>>) target(%arg15 : memref<4096xi32, #tpu.memory_space<vmem>>) target_semaphore(%arg31 : memref<!tpu.dma_semaphore, #tpu.memory_space<semaphore_mem>>)
        %dma_start3A_192 = tpu.memref_slice %arg6[%add3A_187] : memref<8388608xf32, #tpu.memory_space<hbm>> -> memref<4096xf32, #tpu.memory_space<hbm>>
        %dma_start3A_193 = tpu.memref_slice %arg6[%add3A_187] : memref<8388608xf32, #tpu.memory_space<hbm>> -> memref<4096xf32, #tpu.memory_space<hbm>>
        tpu.enqueue_dma source(%dma_start3A_193 : memref<4096xf32, #tpu.memory_space<hbm>>) target(%arg16 : memref<4096xf32, #tpu.memory_space<vmem>>) target_semaphore(%arg31 : memref<!tpu.dma_semaphore, #tpu.memory_space<semaphore_mem>>)
      } else {
      }
      %mul3A_151 = arith.constant 2 : i32
      %mul3A_152 = arith.muli %mul3A_151, %scan3A_123 : i32
      %add3A_153 = arith.constant 1 : i32
      %add3A_154 = arith.addi %mul3A_152, %add3A_153 : i32
      %mul3A_155 = arith.constant 524288 : i32
      %mul3A_156 = arith.muli %arg1, %mul3A_155 : i32
      %mul3A_157 = arith.constant 4096 : i32
      %mul3A_158 = arith.muli %add3A_154, %mul3A_157 : i32
      %add3A_159 = arith.addi %mul3A_156, %mul3A_158 : i32
      %dma_wait3A_160 = tpu.memref_slice %arg4[%add3A_159] : memref<8388608xi32, #tpu.memory_space<hbm>> -> memref<4096xi32, #tpu.memory_space<hbm>>
      %dma_wait3A_161 = tpu.memref_slice %arg4[%add3A_159] : memref<8388608xi32, #tpu.memory_space<hbm>> -> memref<4096xi32, #tpu.memory_space<hbm>>
      tpu.wait_dma2 semaphore(%arg32 : memref<!tpu.dma_semaphore, #tpu.memory_space<semaphore_mem>>) src(%dma_wait3A_161 : memref<4096xi32, #tpu.memory_space<hbm>>) dst(%arg17 : memref<4096xi32, #tpu.memory_space<vmem>>)
      %dma_wait3A_162 = tpu.memref_slice %arg5[%add3A_159] : memref<8388608xi32, #tpu.memory_space<hbm>> -> memref<4096xi32, #tpu.memory_space<hbm>>
      %dma_wait3A_163 = tpu.memref_slice %arg5[%add3A_159] : memref<8388608xi32, #tpu.memory_space<hbm>> -> memref<4096xi32, #tpu.memory_space<hbm>>
      tpu.wait_dma2 semaphore(%arg32 : memref<!tpu.dma_semaphore, #tpu.memory_space<semaphore_mem>>) src(%dma_wait3A_163 : memref<4096xi32, #tpu.memory_space<hbm>>) dst(%arg18 : memref<4096xi32, #tpu.memory_space<vmem>>)
      %dma_wait3A_164 = tpu.memref_slice %arg6[%add3A_159] : memref<8388608xf32, #tpu.memory_space<hbm>> -> memref<4096xf32, #tpu.memory_space<hbm>>
      %dma_wait3A_165 = tpu.memref_slice %arg6[%add3A_159] : memref<8388608xf32, #tpu.memory_space<hbm>> -> memref<4096xf32, #tpu.memory_space<hbm>>
      tpu.wait_dma2 semaphore(%arg32 : memref<!tpu.dma_semaphore, #tpu.memory_space<semaphore_mem>>) src(%dma_wait3A_165 : memref<4096xf32, #tpu.memory_space<hbm>>) dst(%arg19 : memref<4096xf32, #tpu.memory_space<vmem>>)
      %ge3A_166 = arith.constant 1 : i32
      %ge3A_167 = arith.cmpi sge, %scan3A_123, %ge3A_166 : i32
      %convert_element_type3A_168 = arith.extui %ge3A_167 : i1 to i32
      %cond3A_169 = arith.constant 0 : i32
      %cond3A_170 = arith.cmpi ne, %convert_element_type3A_168, %cond3A_169 : i32
      scf.if %cond3A_170 {
        %dma_wait3A_181 = arith.constant 0 : i32
        %dma_wait3A_182 = tpu.memref_slice %arg29[%dma_wait3A_181] : memref<1052672xf32, #tpu.memory_space<vmem_shared>> -> memref<1052672xf32, #tpu.memory_space<vmem_shared>>
        tpu.wait_indirect_dma semaphore(%arg34 : memref<!tpu.dma_semaphore, #tpu.memory_space<semaphore_mem>>) src(%arg23 : memref<4096xf32, #tpu.memory_space<vmem>>) dst(%dma_wait3A_182 : memref<1052672xf32, #tpu.memory_space<vmem_shared>>)
      } else {
      }
      %parallel_loop3A_171 = arith.constant 0 : i32
      %parallel_loop3A_172 = arith.constant 4096 : i32
      %parallel_loop3A_173 = arith.constant 16 : i32
      scf.for %parallel_loop3A_181 = %parallel_loop3A_171 to %parallel_loop3A_172 step %parallel_loop3A_173  : i32 {
        %parallel_loop3A_182 = arith.index_cast %parallel_loop3A_181 : i32 to index
        %parallel_loop3A_183 = tpu.vector_load %arg17[%parallel_loop3A_182] {strides = array<i32>} : memref<4096xi32, #tpu.memory_space<vmem>>, vector<16xi32>,
        %parallel_loop3A_184 = arith.index_cast %parallel_loop3A_181 : i32 to index
        %parallel_loop3A_185 = tpu.vector_load %arg18[%parallel_loop3A_184] {strides = array<i32>} : memref<4096xi32, #tpu.memory_space<vmem>>, vector<16xi32>,
        %parallel_loop3A_186 = arith.index_cast %parallel_loop3A_181 : i32 to index
        %parallel_loop3A_187 = tpu.vector_load %arg19[%parallel_loop3A_186] {strides = array<i32>} : memref<4096xf32, #tpu.memory_space<vmem>>, vector<16xf32>,
        %parallel_loop3A_188 = tpu.vector_load_idx %arg13[%parallel_loop3A_185] : memref<4096xf32, #tpu.memory_space<vmem>>[vector<16xi32>], vector<16xf32>,
        %parallel_loop3A_189 = vector.broadcast %mul3A_5 : i32 to vector<16xi32>
        %parallel_loop3A_190 = arith.subi %parallel_loop3A_183, %parallel_loop3A_189 : vector<16xi32>
        %parallel_loop3A_191 = arith.constant 0 : i32
        %parallel_loop3A_192 = vector.broadcast %parallel_loop3A_191 : i32 to vector<16xi32>
        %parallel_loop3A_193 = arith.cmpi sge, %parallel_loop3A_190, %parallel_loop3A_192 : vector<16xi32>
        %parallel_loop3A_194 = arith.constant 1048576 : i32
        %parallel_loop3A_195 = vector.broadcast %parallel_loop3A_194 : i32 to vector<16xi32>
        %parallel_loop3A_196 = arith.cmpi slt, %parallel_loop3A_190, %parallel_loop3A_195 : vector<16xi32>
        %parallel_loop3A_197 = arith.andi %parallel_loop3A_193, %parallel_loop3A_196 : vector<16xi1>
        %parallel_loop3A_198 = arith.constant 4095 : i32
        %parallel_loop3A_199 = vector.broadcast %parallel_loop3A_198 : i32 to vector<16xi32>
        %parallel_loop3A_200 = arith.andi %parallel_loop3A_183, %parallel_loop3A_199 : vector<16xi32>
        %parallel_loop3A_201 = arith.constant 1048576 : i32
        %parallel_loop3A_202 = vector.broadcast %parallel_loop3A_201 : i32 to vector<16xi32>
        %parallel_loop3A_203 = arith.addi %parallel_loop3A_202, %parallel_loop3A_200 : vector<16xi32>
        %parallel_loop3A_204 = arith.select %parallel_loop3A_197, %parallel_loop3A_190, %parallel_loop3A_203 : vector<16xi1>, vector<16xi32>
        %parallel_loop3A_205 = arith.index_cast %parallel_loop3A_181 : i32 to index
        %parallel_loop3A_206 = tpu.vector_load %arg22[%parallel_loop3A_205] {strides = array<i32>} : memref<4096xi32, #tpu.memory_space<vmem>>, vector<16xi32>,
        tpu.vector_store %arg22[%parallel_loop3A_205], %parallel_loop3A_204 {strides = array<i32>} : memref<4096xi32, #tpu.memory_space<vmem>>, vector<16xi32>,
        %parallel_loop3A_207 = arith.mulf %parallel_loop3A_187, %parallel_loop3A_188 : vector<16xf32>
        %parallel_loop3A_208 = arith.index_cast %parallel_loop3A_181 : i32 to index
        %parallel_loop3A_209 = tpu.vector_load %arg23[%parallel_loop3A_208] {strides = array<i32>} : memref<4096xf32, #tpu.memory_space<vmem>>, vector<16xf32>,
        tpu.vector_store %arg23[%parallel_loop3A_208], %parallel_loop3A_207 {strides = array<i32>} : memref<4096xf32, #tpu.memory_space<vmem>>, vector<16xf32>,
      } {sc.loop_unroll_factor = 8 : i64, sc.parallel_access}
      %dma_start3A_174 = arith.constant 0 : i32
      %dma_start3A_175 = tpu.memref_slice %arg29[%dma_start3A_174] : memref<1052672xf32, #tpu.memory_space<vmem_shared>> -> memref<1052672xf32, #tpu.memory_space<vmem_shared>>
      tpu.enqueue_indirect_dma source(%arg23 : memref<4096xf32, #tpu.memory_space<vmem>>) target(%dma_start3A_175 : memref<1052672xf32, #tpu.memory_space<vmem_shared>>) offsets(%arg22 : memref<4096xi32, #tpu.memory_space<vmem>>) semaphore(%arg34 : memref<!tpu.dma_semaphore, #tpu.memory_space<semaphore_mem>>) {add = true}
      %lt3A_176 = arith.constant 63 : i32
      %lt3A_177 = arith.cmpi slt, %scan3A_123, %lt3A_176 : i32
      %convert_element_type3A_178 = arith.extui %lt3A_177 : i1 to i32
      %cond3A_179 = arith.constant 0 : i32
      %cond3A_180 = arith.cmpi ne, %convert_element_type3A_178, %cond3A_179 : i32
      scf.if %cond3A_180 {
        %add3A_181 = arith.constant 2 : i32
        %add3A_182 = arith.addi %add3A_154, %add3A_181 : i32
        %mul3A_183 = arith.constant 524288 : i32
        %mul3A_184 = arith.muli %arg1, %mul3A_183 : i32
        %mul3A_185 = arith.constant 4096 : i32
        %mul3A_186 = arith.muli %add3A_182, %mul3A_185 : i32
        %add3A_187 = arith.addi %mul3A_184, %mul3A_186 : i32
        %dma_start3A_188 = tpu.memref_slice %arg4[%add3A_187] : memref<8388608xi32, #tpu.memory_space<hbm>> -> memref<4096xi32, #tpu.memory_space<hbm>>
        %dma_start3A_189 = tpu.memref_slice %arg4[%add3A_187] : memref<8388608xi32, #tpu.memory_space<hbm>> -> memref<4096xi32, #tpu.memory_space<hbm>>
        tpu.enqueue_dma source(%dma_start3A_189 : memref<4096xi32, #tpu.memory_space<hbm>>) target(%arg17 : memref<4096xi32, #tpu.memory_space<vmem>>) target_semaphore(%arg32 : memref<!tpu.dma_semaphore, #tpu.memory_space<semaphore_mem>>)
        %dma_start3A_190 = tpu.memref_slice %arg5[%add3A_187] : memref<8388608xi32, #tpu.memory_space<hbm>> -> memref<4096xi32, #tpu.memory_space<hbm>>
        %dma_start3A_191 = tpu.memref_slice %arg5[%add3A_187] : memref<8388608xi32, #tpu.memory_space<hbm>> -> memref<4096xi32, #tpu.memory_space<hbm>>
        tpu.enqueue_dma source(%dma_start3A_191 : memref<4096xi32, #tpu.memory_space<hbm>>) target(%arg18 : memref<4096xi32, #tpu.memory_space<vmem>>) target_semaphore(%arg32 : memref<!tpu.dma_semaphore, #tpu.memory_space<semaphore_mem>>)
        %dma_start3A_192 = tpu.memref_slice %arg6[%add3A_187] : memref<8388608xf32, #tpu.memory_space<hbm>> -> memref<4096xf32, #tpu.memory_space<hbm>>
        %dma_start3A_193 = tpu.memref_slice %arg6[%add3A_187] : memref<8388608xf32, #tpu.memory_space<hbm>> -> memref<4096xf32, #tpu.memory_space<hbm>>
        tpu.enqueue_dma source(%dma_start3A_193 : memref<4096xf32, #tpu.memory_space<hbm>>) target(%arg19 : memref<4096xf32, #tpu.memory_space<vmem>>) target_semaphore(%arg32 : memref<!tpu.dma_semaphore, #tpu.memory_space<semaphore_mem>>)
      } else {
      }
    }
    %scan3A_34 = arith.constant 64 : i32
    %dma_wait3A = arith.constant 0 : i32
    %dma_wait3A_35 = tpu.memref_slice %arg29[%dma_wait3A] : memref<1052672xf32, #tpu.memory_space<vmem_shared>> -> memref<1052672xf32, #tpu.memory_space<vmem_shared>>
    tpu.wait_indirect_dma semaphore(%arg33 : memref<!tpu.dma_semaphore, #tpu.memory_space<semaphore_mem>>) src(%arg21 : memref<4096xf32, #tpu.memory_space<vmem>>) dst(%dma_wait3A_35 : memref<1052672xf32, #tpu.memory_space<vmem_shared>>)
    %dma_wait3A_36 = arith.constant 0 : i32
    %dma_wait3A_37 = tpu.memref_slice %arg29[%dma_wait3A_36] : memref<1052672xf32, #tpu.memory_space<vmem_shared>> -> memref<1052672xf32, #tpu.memory_space<vmem_shared>>
    tpu.wait_indirect_dma semaphore(%arg34 : memref<!tpu.dma_semaphore, #tpu.memory_space<semaphore_mem>>) src(%arg23 : memref<4096xf32, #tpu.memory_space<vmem>>) dst(%dma_wait3A_37 : memref<1052672xf32, #tpu.memory_space<vmem_shared>>)
    %barrier3A_38 = arith.constant 0 : index
    tpu.barrier barrier_id(%barrier3A_38)
    %mul3A_39 = arith.constant 65536 : i32
    %mul3A_40 = arith.muli %arg1, %mul3A_39 : i32
    %mul3A_41 = arith.constant 65536 : i32
    %mul3A_42 = arith.muli %arg1, %mul3A_41 : i32
    %add3A_43 = arith.addi %mul3A_5, %mul3A_42 : i32
    "tpu.region"() ({
      %run_scoped3A = tpu.sem_alloc : memref<!tpu.dma_semaphore, #tpu.memory_space<semaphore_mem>>
      %dma_start3A_123 = tpu.memref_slice %arg11[%add3A_43] : memref<4194304xf32, #tpu.memory_space<hbm>> -> memref<65536xf32, #tpu.memory_space<hbm>>
      %dma_start3A_124 = tpu.memref_slice %arg29[%mul3A_40] : memref<1052672xf32, #tpu.memory_space<vmem_shared>> -> memref<65536xf32, #tpu.memory_space<vmem_shared>>
      tpu.enqueue_dma source(%dma_start3A_124 : memref<65536xf32, #tpu.memory_space<vmem_shared>>) target(%dma_start3A_123 : memref<65536xf32, #tpu.memory_space<hbm>>) target_semaphore(%run_scoped3A : memref<!tpu.dma_semaphore, #tpu.memory_space<semaphore_mem>>)
      %dma_wait3A_125 = tpu.memref_slice %arg11[%add3A_43] : memref<4194304xf32, #tpu.memory_space<hbm>> -> memref<65536xf32, #tpu.memory_space<hbm>>
      %dma_wait3A_126 = tpu.memref_slice %arg29[%mul3A_40] : memref<1052672xf32, #tpu.memory_space<vmem_shared>> -> memref<65536xf32, #tpu.memory_space<vmem_shared>>
      tpu.wait_dma2 semaphore(%run_scoped3A : memref<!tpu.dma_semaphore, #tpu.memory_space<semaphore_mem>>) src(%dma_wait3A_126 : memref<65536xf32, #tpu.memory_space<vmem_shared>>) dst(%dma_wait3A_125 : memref<65536xf32, #tpu.memory_space<hbm>>)
      tpu.yield
    }) : () -> ()
    %barrier3A_44 = arith.constant 0 : index
    tpu.barrier barrier_id(%barrier3A_44)
    %mul3A_45 = arith.constant 2 : i32
    %mul3A_46 = arith.muli %arg0, %mul3A_45 : i32
    %add3A_47 = arith.constant 1 : i32
    %add3A_48 = arith.addi %mul3A_46, %add3A_47 : i32
    %mul3A_49 = arith.constant 1048576 : i32
    %mul3A_50 = arith.muli %add3A_48, %mul3A_49 : i32
    %mul3A_51 = arith.constant 65536 : i32
    %mul3A_52 = arith.muli %arg1, %mul3A_51 : i32
    %add3A_53 = arith.addi %mul3A_50, %mul3A_52 : i32
    %mul3A_54 = arith.constant 65536 : i32
    %mul3A_55 = arith.muli %arg1, %mul3A_54 : i32
    "tpu.region"() ({
      %run_scoped3A = tpu.sem_alloc : memref<!tpu.dma_semaphore, #tpu.memory_space<semaphore_mem>>
      %dma_start3A_123 = tpu.memref_slice %arg29[%mul3A_55] : memref<1052672xf32, #tpu.memory_space<vmem_shared>> -> memref<65536xf32, #tpu.memory_space<vmem_shared>>
      %dma_start3A_124 = tpu.memref_slice %arg3[%add3A_53] : memref<4194304xf32, #tpu.memory_space<hbm>> -> memref<65536xf32, #tpu.memory_space<hbm>>
      tpu.enqueue_dma source(%dma_start3A_124 : memref<65536xf32, #tpu.memory_space<hbm>>) target(%dma_start3A_123 : memref<65536xf32, #tpu.memory_space<vmem_shared>>) target_semaphore(%run_scoped3A : memref<!tpu.dma_semaphore, #tpu.memory_space<semaphore_mem>>)
      %dma_wait3A_125 = tpu.memref_slice %arg29[%mul3A_55] : memref<1052672xf32, #tpu.memory_space<vmem_shared>> -> memref<65536xf32, #tpu.memory_space<vmem_shared>>
      %dma_wait3A_126 = tpu.memref_slice %arg3[%add3A_53] : memref<4194304xf32, #tpu.memory_space<hbm>> -> memref<65536xf32, #tpu.memory_space<hbm>>
      tpu.wait_dma2 semaphore(%run_scoped3A : memref<!tpu.dma_semaphore, #tpu.memory_space<semaphore_mem>>) src(%dma_wait3A_126 : memref<65536xf32, #tpu.memory_space<hbm>>) dst(%dma_wait3A_125 : memref<65536xf32, #tpu.memory_space<vmem_shared>>)
      tpu.yield
    }) : () -> ()
    %barrier3A_56 = arith.constant 0 : index
    tpu.barrier barrier_id(%barrier3A_56)
    %mul3A_57 = arith.constant 524288 : i32
    %mul3A_58 = arith.muli %arg1, %mul3A_57 : i32
    %add3A_59 = arith.constant 0 : i32
    %add3A_60 = arith.addi %mul3A_58, %add3A_59 : i32
    %dma_start3A_61 = tpu.memref_slice %arg4[%add3A_60] : memref<8388608xi32, #tpu.memory_space<hbm>> -> memref<4096xi32, #tpu.memory_space<hbm>>
    %dma_start3A_62 = tpu.memref_slice %arg4[%add3A_60] : memref<8388608xi32, #tpu.memory_space<hbm>> -> memref<4096xi32, #tpu.memory_space<hbm>>
    tpu.enqueue_dma source(%dma_start3A_62 : memref<4096xi32, #tpu.memory_space<hbm>>) target(%arg14 : memref<4096xi32, #tpu.memory_space<vmem>>) target_semaphore(%arg31 : memref<!tpu.dma_semaphore, #tpu.memory_space<semaphore_mem>>)
    %dma_start3A_63 = tpu.memref_slice %arg5[%add3A_60] : memref<8388608xi32, #tpu.memory_space<hbm>> -> memref<4096xi32, #tpu.memory_space<hbm>>
    %dma_start3A_64 = tpu.memref_slice %arg5[%add3A_60] : memref<8388608xi32, #tpu.memory_space<hbm>> -> memref<4096xi32, #tpu.memory_space<hbm>>
    tpu.enqueue_dma source(%dma_start3A_64 : memref<4096xi32, #tpu.memory_space<hbm>>) target(%arg15 : memref<4096xi32, #tpu.memory_space<vmem>>) target_semaphore(%arg31 : memref<!tpu.dma_semaphore, #tpu.memory_space<semaphore_mem>>)
    %dma_start3A_65 = tpu.memref_slice %arg6[%add3A_60] : memref<8388608xf32, #tpu.memory_space<hbm>> -> memref<4096xf32, #tpu.memory_space<hbm>>
    %dma_start3A_66 = tpu.memref_slice %arg6[%add3A_60] : memref<8388608xf32, #tpu.memory_space<hbm>> -> memref<4096xf32, #tpu.memory_space<hbm>>
    tpu.enqueue_dma source(%dma_start3A_66 : memref<4096xf32, #tpu.memory_space<hbm>>) target(%arg16 : memref<4096xf32, #tpu.memory_space<vmem>>) target_semaphore(%arg31 : memref<!tpu.dma_semaphore, #tpu.memory_space<semaphore_mem>>)
    %mul3A_67 = arith.constant 524288 : i32
    %mul3A_68 = arith.muli %arg1, %mul3A_67 : i32
    %add3A_69 = arith.constant 4096 : i32
    %add3A_70 = arith.addi %mul3A_68, %add3A_69 : i32
    %dma_start3A_71 = tpu.memref_slice %arg4[%add3A_70] : memref<8388608xi32, #tpu.memory_space<hbm>> -> memref<4096xi32, #tpu.memory_space<hbm>>
    %dma_start3A_72 = tpu.memref_slice %arg4[%add3A_70] : memref<8388608xi32, #tpu.memory_space<hbm>> -> memref<4096xi32, #tpu.memory_space<hbm>>
    tpu.enqueue_dma source(%dma_start3A_72 : memref<4096xi32, #tpu.memory_space<hbm>>) target(%arg17 : memref<4096xi32, #tpu.memory_space<vmem>>) target_semaphore(%arg32 : memref<!tpu.dma_semaphore, #tpu.memory_space<semaphore_mem>>)
    %dma_start3A_73 = tpu.memref_slice %arg5[%add3A_70] : memref<8388608xi32, #tpu.memory_space<hbm>> -> memref<4096xi32, #tpu.memory_space<hbm>>
    %dma_start3A_74 = tpu.memref_slice %arg5[%add3A_70] : memref<8388608xi32, #tpu.memory_space<hbm>> -> memref<4096xi32, #tpu.memory_space<hbm>>
    tpu.enqueue_dma source(%dma_start3A_74 : memref<4096xi32, #tpu.memory_space<hbm>>) target(%arg18 : memref<4096xi32, #tpu.memory_space<vmem>>) target_semaphore(%arg32 : memref<!tpu.dma_semaphore, #tpu.memory_space<semaphore_mem>>)
    %dma_start3A_75 = tpu.memref_slice %arg6[%add3A_70] : memref<8388608xf32, #tpu.memory_space<hbm>> -> memref<4096xf32, #tpu.memory_space<hbm>>
    %dma_start3A_76 = tpu.memref_slice %arg6[%add3A_70] : memref<8388608xf32, #tpu.memory_space<hbm>> -> memref<4096xf32, #tpu.memory_space<hbm>>
    tpu.enqueue_dma source(%dma_start3A_76 : memref<4096xf32, #tpu.memory_space<hbm>>) target(%arg19 : memref<4096xf32, #tpu.memory_space<vmem>>) target_semaphore(%arg32 : memref<!tpu.dma_semaphore, #tpu.memory_space<semaphore_mem>>)
    %scan3A_77 = arith.constant 0 : i32
    %scan3A_78 = arith.constant 0 : i32
    %scan3A_79 = arith.constant 64 : i32
    %scan3A_80 = arith.addi %scan3A_78, %scan3A_79 : i32
    %scan3A_81 = arith.constant 1 : i32
    scf.for %scan3A_123 = %scan3A_78 to %scan3A_80 step %scan3A_81  : i32 {
      %mul3A_124 = arith.constant 2 : i32
      %mul3A_125 = arith.muli %mul3A_124, %scan3A_123 : i32
      %add3A_126 = arith.constant 0 : i32
      %add3A_127 = arith.addi %mul3A_125, %add3A_126 : i32
      %mul3A_128 = arith.constant 524288 : i32
      %mul3A_129 = arith.muli %arg1, %mul3A_128 : i32
      %mul3A_130 = arith.constant 4096 : i32
      %mul3A_131 = arith.muli %add3A_127, %mul3A_130 : i32
      %add3A_132 = arith.addi %mul3A_129, %mul3A_131 : i32
      %dma_wait3A_133 = tpu.memref_slice %arg4[%add3A_132] : memref<8388608xi32, #tpu.memory_space<hbm>> -> memref<4096xi32, #tpu.memory_space<hbm>>
      %dma_wait3A_134 = tpu.memref_slice %arg4[%add3A_132] : memref<8388608xi32, #tpu.memory_space<hbm>> -> memref<4096xi32, #tpu.memory_space<hbm>>
      tpu.wait_dma2 semaphore(%arg31 : memref<!tpu.dma_semaphore, #tpu.memory_space<semaphore_mem>>) src(%dma_wait3A_134 : memref<4096xi32, #tpu.memory_space<hbm>>) dst(%arg14 : memref<4096xi32, #tpu.memory_space<vmem>>)
      %dma_wait3A_135 = tpu.memref_slice %arg5[%add3A_132] : memref<8388608xi32, #tpu.memory_space<hbm>> -> memref<4096xi32, #tpu.memory_space<hbm>>
      %dma_wait3A_136 = tpu.memref_slice %arg5[%add3A_132] : memref<8388608xi32, #tpu.memory_space<hbm>> -> memref<4096xi32, #tpu.memory_space<hbm>>
      tpu.wait_dma2 semaphore(%arg31 : memref<!tpu.dma_semaphore, #tpu.memory_space<semaphore_mem>>) src(%dma_wait3A_136 : memref<4096xi32, #tpu.memory_space<hbm>>) dst(%arg15 : memref<4096xi32, #tpu.memory_space<vmem>>)
      %dma_wait3A_137 = tpu.memref_slice %arg6[%add3A_132] : memref<8388608xf32, #tpu.memory_space<hbm>> -> memref<4096xf32, #tpu.memory_space<hbm>>
      %dma_wait3A_138 = tpu.memref_slice %arg6[%add3A_132] : memref<8388608xf32, #tpu.memory_space<hbm>> -> memref<4096xf32, #tpu.memory_space<hbm>>
      tpu.wait_dma2 semaphore(%arg31 : memref<!tpu.dma_semaphore, #tpu.memory_space<semaphore_mem>>) src(%dma_wait3A_138 : memref<4096xf32, #tpu.memory_space<hbm>>) dst(%arg16 : memref<4096xf32, #tpu.memory_space<vmem>>)
      %ge3A = arith.constant 1 : i32
      %ge3A_139 = arith.cmpi sge, %scan3A_123, %ge3A : i32
      %convert_element_type3A_140 = arith.extui %ge3A_139 : i1 to i32
      %cond3A_141 = arith.constant 0 : i32
      %cond3A_142 = arith.cmpi ne, %convert_element_type3A_140, %cond3A_141 : i32
      scf.if %cond3A_142 {
        %dma_wait3A_181 = arith.constant 0 : i32
        %dma_wait3A_182 = tpu.memref_slice %arg29[%dma_wait3A_181] : memref<1052672xf32, #tpu.memory_space<vmem_shared>> -> memref<1052672xf32, #tpu.memory_space<vmem_shared>>
        tpu.wait_indirect_dma semaphore(%arg33 : memref<!tpu.dma_semaphore, #tpu.memory_space<semaphore_mem>>) src(%arg21 : memref<4096xf32, #tpu.memory_space<vmem>>) dst(%dma_wait3A_182 : memref<1052672xf32, #tpu.memory_space<vmem_shared>>)
      } else {
      }
      %parallel_loop3A = arith.constant 0 : i32
      %parallel_loop3A_143 = arith.constant 4096 : i32
      %parallel_loop3A_144 = arith.constant 16 : i32
      scf.for %parallel_loop3A_181 = %parallel_loop3A to %parallel_loop3A_143 step %parallel_loop3A_144  : i32 {
        %parallel_loop3A_182 = arith.index_cast %parallel_loop3A_181 : i32 to index
        %parallel_loop3A_183 = tpu.vector_load %arg14[%parallel_loop3A_182] {strides = array<i32>} : memref<4096xi32, #tpu.memory_space<vmem>>, vector<16xi32>,
        %parallel_loop3A_184 = arith.index_cast %parallel_loop3A_181 : i32 to index
        %parallel_loop3A_185 = tpu.vector_load %arg15[%parallel_loop3A_184] {strides = array<i32>} : memref<4096xi32, #tpu.memory_space<vmem>>, vector<16xi32>,
        %parallel_loop3A_186 = arith.index_cast %parallel_loop3A_181 : i32 to index
        %parallel_loop3A_187 = tpu.vector_load %arg16[%parallel_loop3A_186] {strides = array<i32>} : memref<4096xf32, #tpu.memory_space<vmem>>, vector<16xf32>,
        %parallel_loop3A_188 = tpu.vector_load_idx %arg13[%parallel_loop3A_185] : memref<4096xf32, #tpu.memory_space<vmem>>[vector<16xi32>], vector<16xf32>,
        %parallel_loop3A_189 = vector.broadcast %mul3A_50 : i32 to vector<16xi32>
        %parallel_loop3A_190 = arith.subi %parallel_loop3A_183, %parallel_loop3A_189 : vector<16xi32>
        %parallel_loop3A_191 = arith.constant 0 : i32
        %parallel_loop3A_192 = vector.broadcast %parallel_loop3A_191 : i32 to vector<16xi32>
        %parallel_loop3A_193 = arith.cmpi sge, %parallel_loop3A_190, %parallel_loop3A_192 : vector<16xi32>
        %parallel_loop3A_194 = arith.constant 1048576 : i32
        %parallel_loop3A_195 = vector.broadcast %parallel_loop3A_194 : i32 to vector<16xi32>
        %parallel_loop3A_196 = arith.cmpi slt, %parallel_loop3A_190, %parallel_loop3A_195 : vector<16xi32>
        %parallel_loop3A_197 = arith.andi %parallel_loop3A_193, %parallel_loop3A_196 : vector<16xi1>
        %parallel_loop3A_198 = arith.constant 4095 : i32
        %parallel_loop3A_199 = vector.broadcast %parallel_loop3A_198 : i32 to vector<16xi32>
        %parallel_loop3A_200 = arith.andi %parallel_loop3A_183, %parallel_loop3A_199 : vector<16xi32>
        %parallel_loop3A_201 = arith.constant 1048576 : i32
        %parallel_loop3A_202 = vector.broadcast %parallel_loop3A_201 : i32 to vector<16xi32>
        %parallel_loop3A_203 = arith.addi %parallel_loop3A_202, %parallel_loop3A_200 : vector<16xi32>
        %parallel_loop3A_204 = arith.select %parallel_loop3A_197, %parallel_loop3A_190, %parallel_loop3A_203 : vector<16xi1>, vector<16xi32>
        %parallel_loop3A_205 = arith.index_cast %parallel_loop3A_181 : i32 to index
        %parallel_loop3A_206 = tpu.vector_load %arg20[%parallel_loop3A_205] {strides = array<i32>} : memref<4096xi32, #tpu.memory_space<vmem>>, vector<16xi32>,
        tpu.vector_store %arg20[%parallel_loop3A_205], %parallel_loop3A_204 {strides = array<i32>} : memref<4096xi32, #tpu.memory_space<vmem>>, vector<16xi32>,
        %parallel_loop3A_207 = arith.mulf %parallel_loop3A_187, %parallel_loop3A_188 : vector<16xf32>
        %parallel_loop3A_208 = arith.index_cast %parallel_loop3A_181 : i32 to index
        %parallel_loop3A_209 = tpu.vector_load %arg21[%parallel_loop3A_208] {strides = array<i32>} : memref<4096xf32, #tpu.memory_space<vmem>>, vector<16xf32>,
        tpu.vector_store %arg21[%parallel_loop3A_208], %parallel_loop3A_207 {strides = array<i32>} : memref<4096xf32, #tpu.memory_space<vmem>>, vector<16xf32>,
      } {sc.loop_unroll_factor = 8 : i64, sc.parallel_access}
      %dma_start3A_145 = arith.constant 0 : i32
      %dma_start3A_146 = tpu.memref_slice %arg29[%dma_start3A_145] : memref<1052672xf32, #tpu.memory_space<vmem_shared>> -> memref<1052672xf32, #tpu.memory_space<vmem_shared>>
      tpu.enqueue_indirect_dma source(%arg21 : memref<4096xf32, #tpu.memory_space<vmem>>) target(%dma_start3A_146 : memref<1052672xf32, #tpu.memory_space<vmem_shared>>) offsets(%arg20 : memref<4096xi32, #tpu.memory_space<vmem>>) semaphore(%arg33 : memref<!tpu.dma_semaphore, #tpu.memory_space<semaphore_mem>>) {add = true}
      %lt3A = arith.constant 63 : i32
      %lt3A_147 = arith.cmpi slt, %scan3A_123, %lt3A : i32
      %convert_element_type3A_148 = arith.extui %lt3A_147 : i1 to i32
      %cond3A_149 = arith.constant 0 : i32
      %cond3A_150 = arith.cmpi ne, %convert_element_type3A_148, %cond3A_149 : i32
      scf.if %cond3A_150 {
        %add3A_181 = arith.constant 2 : i32
        %add3A_182 = arith.addi %add3A_127, %add3A_181 : i32
        %mul3A_183 = arith.constant 524288 : i32
        %mul3A_184 = arith.muli %arg1, %mul3A_183 : i32
        %mul3A_185 = arith.constant 4096 : i32
        %mul3A_186 = arith.muli %add3A_182, %mul3A_185 : i32
        %add3A_187 = arith.addi %mul3A_184, %mul3A_186 : i32
        %dma_start3A_188 = tpu.memref_slice %arg4[%add3A_187] : memref<8388608xi32, #tpu.memory_space<hbm>> -> memref<4096xi32, #tpu.memory_space<hbm>>
        %dma_start3A_189 = tpu.memref_slice %arg4[%add3A_187] : memref<8388608xi32, #tpu.memory_space<hbm>> -> memref<4096xi32, #tpu.memory_space<hbm>>
        tpu.enqueue_dma source(%dma_start3A_189 : memref<4096xi32, #tpu.memory_space<hbm>>) target(%arg14 : memref<4096xi32, #tpu.memory_space<vmem>>) target_semaphore(%arg31 : memref<!tpu.dma_semaphore, #tpu.memory_space<semaphore_mem>>)
        %dma_start3A_190 = tpu.memref_slice %arg5[%add3A_187] : memref<8388608xi32, #tpu.memory_space<hbm>> -> memref<4096xi32, #tpu.memory_space<hbm>>
        %dma_start3A_191 = tpu.memref_slice %arg5[%add3A_187] : memref<8388608xi32, #tpu.memory_space<hbm>> -> memref<4096xi32, #tpu.memory_space<hbm>>
        tpu.enqueue_dma source(%dma_start3A_191 : memref<4096xi32, #tpu.memory_space<hbm>>) target(%arg15 : memref<4096xi32, #tpu.memory_space<vmem>>) target_semaphore(%arg31 : memref<!tpu.dma_semaphore, #tpu.memory_space<semaphore_mem>>)
        %dma_start3A_192 = tpu.memref_slice %arg6[%add3A_187] : memref<8388608xf32, #tpu.memory_space<hbm>> -> memref<4096xf32, #tpu.memory_space<hbm>>
        %dma_start3A_193 = tpu.memref_slice %arg6[%add3A_187] : memref<8388608xf32, #tpu.memory_space<hbm>> -> memref<4096xf32, #tpu.memory_space<hbm>>
        tpu.enqueue_dma source(%dma_start3A_193 : memref<4096xf32, #tpu.memory_space<hbm>>) target(%arg16 : memref<4096xf32, #tpu.memory_space<vmem>>) target_semaphore(%arg31 : memref<!tpu.dma_semaphore, #tpu.memory_space<semaphore_mem>>)
      } else {
      }
      %mul3A_151 = arith.constant 2 : i32
      %mul3A_152 = arith.muli %mul3A_151, %scan3A_123 : i32
      %add3A_153 = arith.constant 1 : i32
      %add3A_154 = arith.addi %mul3A_152, %add3A_153 : i32
      %mul3A_155 = arith.constant 524288 : i32
      %mul3A_156 = arith.muli %arg1, %mul3A_155 : i32
      %mul3A_157 = arith.constant 4096 : i32
      %mul3A_158 = arith.muli %add3A_154, %mul3A_157 : i32
      %add3A_159 = arith.addi %mul3A_156, %mul3A_158 : i32
      %dma_wait3A_160 = tpu.memref_slice %arg4[%add3A_159] : memref<8388608xi32, #tpu.memory_space<hbm>> -> memref<4096xi32, #tpu.memory_space<hbm>>
      %dma_wait3A_161 = tpu.memref_slice %arg4[%add3A_159] : memref<8388608xi32, #tpu.memory_space<hbm>> -> memref<4096xi32, #tpu.memory_space<hbm>>
      tpu.wait_dma2 semaphore(%arg32 : memref<!tpu.dma_semaphore, #tpu.memory_space<semaphore_mem>>) src(%dma_wait3A_161 : memref<4096xi32, #tpu.memory_space<hbm>>) dst(%arg17 : memref<4096xi32, #tpu.memory_space<vmem>>)
      %dma_wait3A_162 = tpu.memref_slice %arg5[%add3A_159] : memref<8388608xi32, #tpu.memory_space<hbm>> -> memref<4096xi32, #tpu.memory_space<hbm>>
      %dma_wait3A_163 = tpu.memref_slice %arg5[%add3A_159] : memref<8388608xi32, #tpu.memory_space<hbm>> -> memref<4096xi32, #tpu.memory_space<hbm>>
      tpu.wait_dma2 semaphore(%arg32 : memref<!tpu.dma_semaphore, #tpu.memory_space<semaphore_mem>>) src(%dma_wait3A_163 : memref<4096xi32, #tpu.memory_space<hbm>>) dst(%arg18 : memref<4096xi32, #tpu.memory_space<vmem>>)
      %dma_wait3A_164 = tpu.memref_slice %arg6[%add3A_159] : memref<8388608xf32, #tpu.memory_space<hbm>> -> memref<4096xf32, #tpu.memory_space<hbm>>
      %dma_wait3A_165 = tpu.memref_slice %arg6[%add3A_159] : memref<8388608xf32, #tpu.memory_space<hbm>> -> memref<4096xf32, #tpu.memory_space<hbm>>
      tpu.wait_dma2 semaphore(%arg32 : memref<!tpu.dma_semaphore, #tpu.memory_space<semaphore_mem>>) src(%dma_wait3A_165 : memref<4096xf32, #tpu.memory_space<hbm>>) dst(%arg19 : memref<4096xf32, #tpu.memory_space<vmem>>)
      %ge3A_166 = arith.constant 1 : i32
      %ge3A_167 = arith.cmpi sge, %scan3A_123, %ge3A_166 : i32
      %convert_element_type3A_168 = arith.extui %ge3A_167 : i1 to i32
      %cond3A_169 = arith.constant 0 : i32
      %cond3A_170 = arith.cmpi ne, %convert_element_type3A_168, %cond3A_169 : i32
      scf.if %cond3A_170 {
        %dma_wait3A_181 = arith.constant 0 : i32
        %dma_wait3A_182 = tpu.memref_slice %arg29[%dma_wait3A_181] : memref<1052672xf32, #tpu.memory_space<vmem_shared>> -> memref<1052672xf32, #tpu.memory_space<vmem_shared>>
        tpu.wait_indirect_dma semaphore(%arg34 : memref<!tpu.dma_semaphore, #tpu.memory_space<semaphore_mem>>) src(%arg23 : memref<4096xf32, #tpu.memory_space<vmem>>) dst(%dma_wait3A_182 : memref<1052672xf32, #tpu.memory_space<vmem_shared>>)
      } else {
      }
      %parallel_loop3A_171 = arith.constant 0 : i32
      %parallel_loop3A_172 = arith.constant 4096 : i32
      %parallel_loop3A_173 = arith.constant 16 : i32
      scf.for %parallel_loop3A_181 = %parallel_loop3A_171 to %parallel_loop3A_172 step %parallel_loop3A_173  : i32 {
        %parallel_loop3A_182 = arith.index_cast %parallel_loop3A_181 : i32 to index
        %parallel_loop3A_183 = tpu.vector_load %arg17[%parallel_loop3A_182] {strides = array<i32>} : memref<4096xi32, #tpu.memory_space<vmem>>, vector<16xi32>,
        %parallel_loop3A_184 = arith.index_cast %parallel_loop3A_181 : i32 to index
        %parallel_loop3A_185 = tpu.vector_load %arg18[%parallel_loop3A_184] {strides = array<i32>} : memref<4096xi32, #tpu.memory_space<vmem>>, vector<16xi32>,
        %parallel_loop3A_186 = arith.index_cast %parallel_loop3A_181 : i32 to index
        %parallel_loop3A_187 = tpu.vector_load %arg19[%parallel_loop3A_186] {strides = array<i32>} : memref<4096xf32, #tpu.memory_space<vmem>>, vector<16xf32>,
        %parallel_loop3A_188 = tpu.vector_load_idx %arg13[%parallel_loop3A_185] : memref<4096xf32, #tpu.memory_space<vmem>>[vector<16xi32>], vector<16xf32>,
        %parallel_loop3A_189 = vector.broadcast %mul3A_50 : i32 to vector<16xi32>
        %parallel_loop3A_190 = arith.subi %parallel_loop3A_183, %parallel_loop3A_189 : vector<16xi32>
        %parallel_loop3A_191 = arith.constant 0 : i32
        %parallel_loop3A_192 = vector.broadcast %parallel_loop3A_191 : i32 to vector<16xi32>
        %parallel_loop3A_193 = arith.cmpi sge, %parallel_loop3A_190, %parallel_loop3A_192 : vector<16xi32>
        %parallel_loop3A_194 = arith.constant 1048576 : i32
        %parallel_loop3A_195 = vector.broadcast %parallel_loop3A_194 : i32 to vector<16xi32>
        %parallel_loop3A_196 = arith.cmpi slt, %parallel_loop3A_190, %parallel_loop3A_195 : vector<16xi32>
        %parallel_loop3A_197 = arith.andi %parallel_loop3A_193, %parallel_loop3A_196 : vector<16xi1>
        %parallel_loop3A_198 = arith.constant 4095 : i32
        %parallel_loop3A_199 = vector.broadcast %parallel_loop3A_198 : i32 to vector<16xi32>
        %parallel_loop3A_200 = arith.andi %parallel_loop3A_183, %parallel_loop3A_199 : vector<16xi32>
        %parallel_loop3A_201 = arith.constant 1048576 : i32
        %parallel_loop3A_202 = vector.broadcast %parallel_loop3A_201 : i32 to vector<16xi32>
        %parallel_loop3A_203 = arith.addi %parallel_loop3A_202, %parallel_loop3A_200 : vector<16xi32>
        %parallel_loop3A_204 = arith.select %parallel_loop3A_197, %parallel_loop3A_190, %parallel_loop3A_203 : vector<16xi1>, vector<16xi32>
        %parallel_loop3A_205 = arith.index_cast %parallel_loop3A_181 : i32 to index
        %parallel_loop3A_206 = tpu.vector_load %arg22[%parallel_loop3A_205] {strides = array<i32>} : memref<4096xi32, #tpu.memory_space<vmem>>, vector<16xi32>,
        tpu.vector_store %arg22[%parallel_loop3A_205], %parallel_loop3A_204 {strides = array<i32>} : memref<4096xi32, #tpu.memory_space<vmem>>, vector<16xi32>,
        %parallel_loop3A_207 = arith.mulf %parallel_loop3A_187, %parallel_loop3A_188 : vector<16xf32>
        %parallel_loop3A_208 = arith.index_cast %parallel_loop3A_181 : i32 to index
        %parallel_loop3A_209 = tpu.vector_load %arg23[%parallel_loop3A_208] {strides = array<i32>} : memref<4096xf32, #tpu.memory_space<vmem>>, vector<16xf32>,
        tpu.vector_store %arg23[%parallel_loop3A_208], %parallel_loop3A_207 {strides = array<i32>} : memref<4096xf32, #tpu.memory_space<vmem>>, vector<16xf32>,
      } {sc.loop_unroll_factor = 8 : i64, sc.parallel_access}
      %dma_start3A_174 = arith.constant 0 : i32
      %dma_start3A_175 = tpu.memref_slice %arg29[%dma_start3A_174] : memref<1052672xf32, #tpu.memory_space<vmem_shared>> -> memref<1052672xf32, #tpu.memory_space<vmem_shared>>
      tpu.enqueue_indirect_dma source(%arg23 : memref<4096xf32, #tpu.memory_space<vmem>>) target(%dma_start3A_175 : memref<1052672xf32, #tpu.memory_space<vmem_shared>>) offsets(%arg22 : memref<4096xi32, #tpu.memory_space<vmem>>) semaphore(%arg34 : memref<!tpu.dma_semaphore, #tpu.memory_space<semaphore_mem>>) {add = true}
      %lt3A_176 = arith.constant 63 : i32
      %lt3A_177 = arith.cmpi slt, %scan3A_123, %lt3A_176 : i32
      %convert_element_type3A_178 = arith.extui %lt3A_177 : i1 to i32
      %cond3A_179 = arith.constant 0 : i32
      %cond3A_180 = arith.cmpi ne, %convert_element_type3A_178, %cond3A_179 : i32
      scf.if %cond3A_180 {
        %add3A_181 = arith.constant 2 : i32
        %add3A_182 = arith.addi %add3A_154, %add3A_181 : i32
        %mul3A_183 = arith.constant 524288 : i32
        %mul3A_184 = arith.muli %arg1, %mul3A_183 : i32
        %mul3A_185 = arith.constant 4096 : i32
        %mul3A_186 = arith.muli %add3A_182, %mul3A_185 : i32
        %add3A_187 = arith.addi %mul3A_184, %mul3A_186 : i32
        %dma_start3A_188 = tpu.memref_slice %arg4[%add3A_187] : memref<8388608xi32, #tpu.memory_space<hbm>> -> memref<4096xi32, #tpu.memory_space<hbm>>
        %dma_start3A_189 = tpu.memref_slice %arg4[%add3A_187] : memref<8388608xi32, #tpu.memory_space<hbm>> -> memref<4096xi32, #tpu.memory_space<hbm>>
        tpu.enqueue_dma source(%dma_start3A_189 : memref<4096xi32, #tpu.memory_space<hbm>>) target(%arg17 : memref<4096xi32, #tpu.memory_space<vmem>>) target_semaphore(%arg32 : memref<!tpu.dma_semaphore, #tpu.memory_space<semaphore_mem>>)
        %dma_start3A_190 = tpu.memref_slice %arg5[%add3A_187] : memref<8388608xi32, #tpu.memory_space<hbm>> -> memref<4096xi32, #tpu.memory_space<hbm>>
        %dma_start3A_191 = tpu.memref_slice %arg5[%add3A_187] : memref<8388608xi32, #tpu.memory_space<hbm>> -> memref<4096xi32, #tpu.memory_space<hbm>>
        tpu.enqueue_dma source(%dma_start3A_191 : memref<4096xi32, #tpu.memory_space<hbm>>) target(%arg18 : memref<4096xi32, #tpu.memory_space<vmem>>) target_semaphore(%arg32 : memref<!tpu.dma_semaphore, #tpu.memory_space<semaphore_mem>>)
        %dma_start3A_192 = tpu.memref_slice %arg6[%add3A_187] : memref<8388608xf32, #tpu.memory_space<hbm>> -> memref<4096xf32, #tpu.memory_space<hbm>>
        %dma_start3A_193 = tpu.memref_slice %arg6[%add3A_187] : memref<8388608xf32, #tpu.memory_space<hbm>> -> memref<4096xf32, #tpu.memory_space<hbm>>
        tpu.enqueue_dma source(%dma_start3A_193 : memref<4096xf32, #tpu.memory_space<hbm>>) target(%arg19 : memref<4096xf32, #tpu.memory_space<vmem>>) target_semaphore(%arg32 : memref<!tpu.dma_semaphore, #tpu.memory_space<semaphore_mem>>)
      } else {
      }
    }
    %scan3A_82 = arith.constant 64 : i32
    %dma_wait3A_83 = arith.constant 0 : i32
    %dma_wait3A_84 = tpu.memref_slice %arg29[%dma_wait3A_83] : memref<1052672xf32, #tpu.memory_space<vmem_shared>> -> memref<1052672xf32, #tpu.memory_space<vmem_shared>>
    tpu.wait_indirect_dma semaphore(%arg33 : memref<!tpu.dma_semaphore, #tpu.memory_space<semaphore_mem>>) src(%arg21 : memref<4096xf32, #tpu.memory_space<vmem>>) dst(%dma_wait3A_84 : memref<1052672xf32, #tpu.memory_space<vmem_shared>>)
    %dma_wait3A_85 = arith.constant 0 : i32
    %dma_wait3A_86 = tpu.memref_slice %arg29[%dma_wait3A_85] : memref<1052672xf32, #tpu.memory_space<vmem_shared>> -> memref<1052672xf32, #tpu.memory_space<vmem_shared>>
    tpu.wait_indirect_dma semaphore(%arg34 : memref<!tpu.dma_semaphore, #tpu.memory_space<semaphore_mem>>) src(%arg23 : memref<4096xf32, #tpu.memory_space<vmem>>) dst(%dma_wait3A_86 : memref<1052672xf32, #tpu.memory_space<vmem_shared>>)
    %barrier3A_87 = arith.constant 0 : index
    tpu.barrier barrier_id(%barrier3A_87)
    %mul3A_88 = arith.constant 65536 : i32
    %mul3A_89 = arith.muli %arg1, %mul3A_88 : i32
    %mul3A_90 = arith.constant 65536 : i32
    %mul3A_91 = arith.muli %arg1, %mul3A_90 : i32
    %add3A_92 = arith.addi %mul3A_50, %mul3A_91 : i32
    "tpu.region"() ({
      %run_scoped3A = tpu.sem_alloc : memref<!tpu.dma_semaphore, #tpu.memory_space<semaphore_mem>>
      %dma_start3A_123 = tpu.memref_slice %arg11[%add3A_92] : memref<4194304xf32, #tpu.memory_space<hbm>> -> memref<65536xf32, #tpu.memory_space<hbm>>
      %dma_start3A_124 = tpu.memref_slice %arg29[%mul3A_89] : memref<1052672xf32, #tpu.memory_space<vmem_shared>> -> memref<65536xf32, #tpu.memory_space<vmem_shared>>
      tpu.enqueue_dma source(%dma_start3A_124 : memref<65536xf32, #tpu.memory_space<vmem_shared>>) target(%dma_start3A_123 : memref<65536xf32, #tpu.memory_space<hbm>>) target_semaphore(%run_scoped3A : memref<!tpu.dma_semaphore, #tpu.memory_space<semaphore_mem>>)
      %dma_wait3A_125 = tpu.memref_slice %arg11[%add3A_92] : memref<4194304xf32, #tpu.memory_space<hbm>> -> memref<65536xf32, #tpu.memory_space<hbm>>
      %dma_wait3A_126 = tpu.memref_slice %arg29[%mul3A_89] : memref<1052672xf32, #tpu.memory_space<vmem_shared>> -> memref<65536xf32, #tpu.memory_space<vmem_shared>>
      tpu.wait_dma2 semaphore(%run_scoped3A : memref<!tpu.dma_semaphore, #tpu.memory_space<semaphore_mem>>) src(%dma_wait3A_126 : memref<65536xf32, #tpu.memory_space<vmem_shared>>) dst(%dma_wait3A_125 : memref<65536xf32, #tpu.memory_space<hbm>>)
      tpu.yield
    }) : () -> ()
    %barrier3A_93 = arith.constant 0 : index
    tpu.barrier barrier_id(%barrier3A_93)
    %mul3A_94 = arith.constant 2 : i32
    %mul3A_95 = arith.muli %arg1, %mul3A_94 : i32
    %add3A_96 = arith.addi %mul3A_95, %arg0 : i32
    %mul3A_97 = arith.constant 5824 : i32
    %mul3A_98 = arith.muli %add3A_96, %mul3A_97 : i32
    %add3A_99 = arith.constant 0 : i32
    %add3A_100 = arith.addi %mul3A_98, %add3A_99 : i32
    "tpu.region"() ({
      %run_scoped3A = tpu.sem_alloc : memref<!tpu.dma_semaphore, #tpu.memory_space<semaphore_mem>>
      %dma_start3A_123 = tpu.memref_slice %arg7[%add3A_100] : memref<186368xi32, #tpu.memory_space<hbm>> -> memref<2912xi32, #tpu.memory_space<hbm>>
      %dma_start3A_124 = tpu.memref_slice %arg7[%add3A_100] : memref<186368xi32, #tpu.memory_space<hbm>> -> memref<2912xi32, #tpu.memory_space<hbm>>
      tpu.enqueue_dma source(%dma_start3A_124 : memref<2912xi32, #tpu.memory_space<hbm>>) target(%arg24 : memref<2912xi32, #tpu.memory_space<vmem>>) target_semaphore(%run_scoped3A : memref<!tpu.dma_semaphore, #tpu.memory_space<semaphore_mem>>)
      %dma_wait3A_125 = tpu.memref_slice %arg7[%add3A_100] : memref<186368xi32, #tpu.memory_space<hbm>> -> memref<2912xi32, #tpu.memory_space<hbm>>
      %dma_wait3A_126 = tpu.memref_slice %arg7[%add3A_100] : memref<186368xi32, #tpu.memory_space<hbm>> -> memref<2912xi32, #tpu.memory_space<hbm>>
      tpu.wait_dma2 semaphore(%run_scoped3A : memref<!tpu.dma_semaphore, #tpu.memory_space<semaphore_mem>>) src(%dma_wait3A_126 : memref<2912xi32, #tpu.memory_space<hbm>>) dst(%arg24 : memref<2912xi32, #tpu.memory_space<vmem>>)
      tpu.yield
    }) : () -> ()
    "tpu.region"() ({
      %run_scoped3A = tpu.sem_alloc : memref<!tpu.dma_semaphore, #tpu.memory_space<semaphore_mem>>
      %dma_start3A_123 = tpu.memref_slice %arg8[%add3A_100] : memref<186368xi32, #tpu.memory_space<hbm>> -> memref<2912xi32, #tpu.memory_space<hbm>>
      %dma_start3A_124 = tpu.memref_slice %arg8[%add3A_100] : memref<186368xi32, #tpu.memory_space<hbm>> -> memref<2912xi32, #tpu.memory_space<hbm>>
      tpu.enqueue_dma source(%dma_start3A_124 : memref<2912xi32, #tpu.memory_space<hbm>>) target(%arg25 : memref<2912xi32, #tpu.memory_space<vmem>>) target_semaphore(%run_scoped3A : memref<!tpu.dma_semaphore, #tpu.memory_space<semaphore_mem>>)
      %dma_wait3A_125 = tpu.memref_slice %arg8[%add3A_100] : memref<186368xi32, #tpu.memory_space<hbm>> -> memref<2912xi32, #tpu.memory_space<hbm>>
      %dma_wait3A_126 = tpu.memref_slice %arg8[%add3A_100] : memref<186368xi32, #tpu.memory_space<hbm>> -> memref<2912xi32, #tpu.memory_space<hbm>>
      tpu.wait_dma2 semaphore(%run_scoped3A : memref<!tpu.dma_semaphore, #tpu.memory_space<semaphore_mem>>) src(%dma_wait3A_126 : memref<2912xi32, #tpu.memory_space<hbm>>) dst(%arg25 : memref<2912xi32, #tpu.memory_space<vmem>>)
      tpu.yield
    }) : () -> ()
    "tpu.region"() ({
      %run_scoped3A = tpu.sem_alloc : memref<!tpu.dma_semaphore, #tpu.memory_space<semaphore_mem>>
      %dma_start3A_123 = tpu.memref_slice %arg9[%add3A_100] : memref<186368xf32, #tpu.memory_space<hbm>> -> memref<2912xf32, #tpu.memory_space<hbm>>
      %dma_start3A_124 = tpu.memref_slice %arg9[%add3A_100] : memref<186368xf32, #tpu.memory_space<hbm>> -> memref<2912xf32, #tpu.memory_space<hbm>>
      tpu.enqueue_dma source(%dma_start3A_124 : memref<2912xf32, #tpu.memory_space<hbm>>) target(%arg26 : memref<2912xf32, #tpu.memory_space<vmem>>) target_semaphore(%run_scoped3A : memref<!tpu.dma_semaphore, #tpu.memory_space<semaphore_mem>>)
      %dma_wait3A_125 = tpu.memref_slice %arg9[%add3A_100] : memref<186368xf32, #tpu.memory_space<hbm>> -> memref<2912xf32, #tpu.memory_space<hbm>>
      %dma_wait3A_126 = tpu.memref_slice %arg9[%add3A_100] : memref<186368xf32, #tpu.memory_space<hbm>> -> memref<2912xf32, #tpu.memory_space<hbm>>
      tpu.wait_dma2 semaphore(%run_scoped3A : memref<!tpu.dma_semaphore, #tpu.memory_space<semaphore_mem>>) src(%dma_wait3A_126 : memref<2912xf32, #tpu.memory_space<hbm>>) dst(%arg26 : memref<2912xf32, #tpu.memory_space<vmem>>)
      tpu.yield
    }) : () -> ()
    %scan3A_101 = arith.constant 0 : i32
    %scan3A_102 = arith.constant 0 : i32
    %scan3A_103 = arith.constant 182 : i32
    %scan3A_104 = arith.addi %scan3A_102, %scan3A_103 : i32
    %scan3A_105 = arith.constant 1 : i32
    scf.for %scan3A_123 = %scan3A_102 to %scan3A_104 step %scan3A_105  : i32 {
      %mul3A_124 = arith.constant 16 : i32
      %mul3A_125 = arith.muli %scan3A_123, %mul3A_124 : i32
      %get3A = arith.index_cast %mul3A_125 : i32 to index
      %get3A_126 = tpu.vector_load %arg24[%get3A] {strides = array<i32>} : memref<2912xi32, #tpu.memory_space<vmem>>, vector<16xi32>,
      %get3A_127 = arith.index_cast %mul3A_125 : i32 to index
      %get3A_128 = tpu.vector_load %arg25[%get3A_127] {strides = array<i32>} : memref<2912xi32, #tpu.memory_space<vmem>>, vector<16xi32>,
      %get3A_129 = arith.index_cast %mul3A_125 : i32 to index
      %get3A_130 = tpu.vector_load %arg26[%get3A_129] {strides = array<i32>} : memref<2912xf32, #tpu.memory_space<vmem>>, vector<16xf32>,
      %gather3A = tpu.vector_load_idx %arg13[%get3A_128] : memref<4096xf32, #tpu.memory_space<vmem>>[vector<16xi32>], vector<16xf32>,
      %swap3A = arith.index_cast %mul3A_125 : i32 to index
      %swap3A_131 = tpu.vector_load %arg27[%swap3A] {strides = array<i32>} : memref<2912xi32, #tpu.memory_space<vmem>>, vector<16xi32>,
      tpu.vector_store %arg27[%swap3A], %get3A_126 {strides = array<i32>} : memref<2912xi32, #tpu.memory_space<vmem>>, vector<16xi32>,
      %mul3A_132 = arith.mulf %get3A_130, %gather3A : vector<16xf32>
      %swap3A_133 = arith.index_cast %mul3A_125 : i32 to index
      %swap3A_134 = tpu.vector_load %arg28[%swap3A_133] {strides = array<i32>} : memref<2912xf32, #tpu.memory_space<vmem>>, vector<16xf32>,
      tpu.vector_store %arg28[%swap3A_133], %mul3A_132 {strides = array<i32>} : memref<2912xf32, #tpu.memory_space<vmem>>, vector<16xf32>,
    }
    %scan3A_106 = arith.constant 182 : i32
    "tpu.region"() ({
      %run_scoped3A = tpu.sem_alloc : memref<!tpu.dma_semaphore, #tpu.memory_space<semaphore_mem>>
      %dma_start3A_123 = arith.constant 0 : i32
      %dma_start3A_124 = tpu.memref_slice %arg30[%dma_start3A_123] : memref<2048xf32, #tpu.memory_space<vmem_shared>> -> memref<2048xf32, #tpu.memory_space<vmem_shared>>
      tpu.enqueue_indirect_dma source(%arg28 : memref<2912xf32, #tpu.memory_space<vmem>>) target(%dma_start3A_124 : memref<2048xf32, #tpu.memory_space<vmem_shared>>) offsets(%arg27 : memref<2912xi32, #tpu.memory_space<vmem>>) semaphore(%run_scoped3A : memref<!tpu.dma_semaphore, #tpu.memory_space<semaphore_mem>>) {add = true}
      %dma_wait3A_125 = arith.constant 0 : i32
      %dma_wait3A_126 = tpu.memref_slice %arg30[%dma_wait3A_125] : memref<2048xf32, #tpu.memory_space<vmem_shared>> -> memref<2048xf32, #tpu.memory_space<vmem_shared>>
      tpu.wait_indirect_dma semaphore(%run_scoped3A : memref<!tpu.dma_semaphore, #tpu.memory_space<semaphore_mem>>) src(%arg28 : memref<2912xf32, #tpu.memory_space<vmem>>) dst(%dma_wait3A_126 : memref<2048xf32, #tpu.memory_space<vmem_shared>>)
      tpu.yield
    }) : () -> ()
    %mul3A_107 = arith.constant 5824 : i32
    %mul3A_108 = arith.muli %add3A_96, %mul3A_107 : i32
    %add3A_109 = arith.constant 2912 : i32
    %add3A_110 = arith.addi %mul3A_108, %add3A_109 : i32
    "tpu.region"() ({
      %run_scoped3A = tpu.sem_alloc : memref<!tpu.dma_semaphore, #tpu.memory_space<semaphore_mem>>
      %dma_start3A_123 = tpu.memref_slice %arg7[%add3A_110] : memref<186368xi32, #tpu.memory_space<hbm>> -> memref<2912xi32, #tpu.memory_space<hbm>>
      %dma_start3A_124 = tpu.memref_slice %arg7[%add3A_110] : memref<186368xi32, #tpu.memory_space<hbm>> -> memref<2912xi32, #tpu.memory_space<hbm>>
      tpu.enqueue_dma source(%dma_start3A_124 : memref<2912xi32, #tpu.memory_space<hbm>>) target(%arg24 : memref<2912xi32, #tpu.memory_space<vmem>>) target_semaphore(%run_scoped3A : memref<!tpu.dma_semaphore, #tpu.memory_space<semaphore_mem>>)
      %dma_wait3A_125 = tpu.memref_slice %arg7[%add3A_110] : memref<186368xi32, #tpu.memory_space<hbm>> -> memref<2912xi32, #tpu.memory_space<hbm>>
      %dma_wait3A_126 = tpu.memref_slice %arg7[%add3A_110] : memref<186368xi32, #tpu.memory_space<hbm>> -> memref<2912xi32, #tpu.memory_space<hbm>>
      tpu.wait_dma2 semaphore(%run_scoped3A : memref<!tpu.dma_semaphore, #tpu.memory_space<semaphore_mem>>) src(%dma_wait3A_126 : memref<2912xi32, #tpu.memory_space<hbm>>) dst(%arg24 : memref<2912xi32, #tpu.memory_space<vmem>>)
      tpu.yield
    }) : () -> ()
    "tpu.region"() ({
      %run_scoped3A = tpu.sem_alloc : memref<!tpu.dma_semaphore, #tpu.memory_space<semaphore_mem>>
      %dma_start3A_123 = tpu.memref_slice %arg8[%add3A_110] : memref<186368xi32, #tpu.memory_space<hbm>> -> memref<2912xi32, #tpu.memory_space<hbm>>
      %dma_start3A_124 = tpu.memref_slice %arg8[%add3A_110] : memref<186368xi32, #tpu.memory_space<hbm>> -> memref<2912xi32, #tpu.memory_space<hbm>>
      tpu.enqueue_dma source(%dma_start3A_124 : memref<2912xi32, #tpu.memory_space<hbm>>) target(%arg25 : memref<2912xi32, #tpu.memory_space<vmem>>) target_semaphore(%run_scoped3A : memref<!tpu.dma_semaphore, #tpu.memory_space<semaphore_mem>>)
      %dma_wait3A_125 = tpu.memref_slice %arg8[%add3A_110] : memref<186368xi32, #tpu.memory_space<hbm>> -> memref<2912xi32, #tpu.memory_space<hbm>>
      %dma_wait3A_126 = tpu.memref_slice %arg8[%add3A_110] : memref<186368xi32, #tpu.memory_space<hbm>> -> memref<2912xi32, #tpu.memory_space<hbm>>
      tpu.wait_dma2 semaphore(%run_scoped3A : memref<!tpu.dma_semaphore, #tpu.memory_space<semaphore_mem>>) src(%dma_wait3A_126 : memref<2912xi32, #tpu.memory_space<hbm>>) dst(%arg25 : memref<2912xi32, #tpu.memory_space<vmem>>)
      tpu.yield
    }) : () -> ()
    "tpu.region"() ({
      %run_scoped3A = tpu.sem_alloc : memref<!tpu.dma_semaphore, #tpu.memory_space<semaphore_mem>>
      %dma_start3A_123 = tpu.memref_slice %arg9[%add3A_110] : memref<186368xf32, #tpu.memory_space<hbm>> -> memref<2912xf32, #tpu.memory_space<hbm>>
      %dma_start3A_124 = tpu.memref_slice %arg9[%add3A_110] : memref<186368xf32, #tpu.memory_space<hbm>> -> memref<2912xf32, #tpu.memory_space<hbm>>
      tpu.enqueue_dma source(%dma_start3A_124 : memref<2912xf32, #tpu.memory_space<hbm>>) target(%arg26 : memref<2912xf32, #tpu.memory_space<vmem>>) target_semaphore(%run_scoped3A : memref<!tpu.dma_semaphore, #tpu.memory_space<semaphore_mem>>)
      %dma_wait3A_125 = tpu.memref_slice %arg9[%add3A_110] : memref<186368xf32, #tpu.memory_space<hbm>> -> memref<2912xf32, #tpu.memory_space<hbm>>
      %dma_wait3A_126 = tpu.memref_slice %arg9[%add3A_110] : memref<186368xf32, #tpu.memory_space<hbm>> -> memref<2912xf32, #tpu.memory_space<hbm>>
      tpu.wait_dma2 semaphore(%run_scoped3A : memref<!tpu.dma_semaphore, #tpu.memory_space<semaphore_mem>>) src(%dma_wait3A_126 : memref<2912xf32, #tpu.memory_space<hbm>>) dst(%arg26 : memref<2912xf32, #tpu.memory_space<vmem>>)
      tpu.yield
    }) : () -> ()
    %scan3A_111 = arith.constant 0 : i32
    %scan3A_112 = arith.constant 0 : i32
    %scan3A_113 = arith.constant 182 : i32
    %scan3A_114 = arith.addi %scan3A_112, %scan3A_113 : i32
    %scan3A_115 = arith.constant 1 : i32
    scf.for %scan3A_123 = %scan3A_112 to %scan3A_114 step %scan3A_115  : i32 {
      %mul3A_124 = arith.constant 16 : i32
      %mul3A_125 = arith.muli %scan3A_123, %mul3A_124 : i32
      %get3A = arith.index_cast %mul3A_125 : i32 to index
      %get3A_126 = tpu.vector_load %arg24[%get3A] {strides = array<i32>} : memref<2912xi32, #tpu.memory_space<vmem>>, vector<16xi32>,
      %get3A_127 = arith.index_cast %mul3A_125 : i32 to index
      %get3A_128 = tpu.vector_load %arg25[%get3A_127] {strides = array<i32>} : memref<2912xi32, #tpu.memory_space<vmem>>, vector<16xi32>,
      %get3A_129 = arith.index_cast %mul3A_125 : i32 to index
      %get3A_130 = tpu.vector_load %arg26[%get3A_129] {strides = array<i32>} : memref<2912xf32, #tpu.memory_space<vmem>>, vector<16xf32>,
      %gather3A = tpu.vector_load_idx %arg13[%get3A_128] : memref<4096xf32, #tpu.memory_space<vmem>>[vector<16xi32>], vector<16xf32>,
      %swap3A = arith.index_cast %mul3A_125 : i32 to index
      %swap3A_131 = tpu.vector_load %arg27[%swap3A] {strides = array<i32>} : memref<2912xi32, #tpu.memory_space<vmem>>, vector<16xi32>,
      tpu.vector_store %arg27[%swap3A], %get3A_126 {strides = array<i32>} : memref<2912xi32, #tpu.memory_space<vmem>>, vector<16xi32>,
      %mul3A_132 = arith.mulf %get3A_130, %gather3A : vector<16xf32>
      %swap3A_133 = arith.index_cast %mul3A_125 : i32 to index
      %swap3A_134 = tpu.vector_load %arg28[%swap3A_133] {strides = array<i32>} : memref<2912xf32, #tpu.memory_space<vmem>>, vector<16xf32>,
      tpu.vector_store %arg28[%swap3A_133], %mul3A_132 {strides = array<i32>} : memref<2912xf32, #tpu.memory_space<vmem>>, vector<16xf32>,
    }
    %scan3A_116 = arith.constant 182 : i32
    "tpu.region"() ({
      %run_scoped3A = tpu.sem_alloc : memref<!tpu.dma_semaphore, #tpu.memory_space<semaphore_mem>>
      %dma_start3A_123 = arith.constant 0 : i32
      %dma_start3A_124 = tpu.memref_slice %arg30[%dma_start3A_123] : memref<2048xf32, #tpu.memory_space<vmem_shared>> -> memref<2048xf32, #tpu.memory_space<vmem_shared>>
      tpu.enqueue_indirect_dma source(%arg28 : memref<2912xf32, #tpu.memory_space<vmem>>) target(%dma_start3A_124 : memref<2048xf32, #tpu.memory_space<vmem_shared>>) offsets(%arg27 : memref<2912xi32, #tpu.memory_space<vmem>>) semaphore(%run_scoped3A : memref<!tpu.dma_semaphore, #tpu.memory_space<semaphore_mem>>) {add = true}
      %dma_wait3A_125 = arith.constant 0 : i32
      %dma_wait3A_126 = tpu.memref_slice %arg30[%dma_wait3A_125] : memref<2048xf32, #tpu.memory_space<vmem_shared>> -> memref<2048xf32, #tpu.memory_space<vmem_shared>>
      tpu.wait_indirect_dma semaphore(%run_scoped3A : memref<!tpu.dma_semaphore, #tpu.memory_space<semaphore_mem>>) src(%arg28 : memref<2912xf32, #tpu.memory_space<vmem>>) dst(%dma_wait3A_126 : memref<2048xf32, #tpu.memory_space<vmem_shared>>)
      tpu.yield
    }) : () -> ()
    %barrier3A_117 = arith.constant 0 : index
    tpu.barrier barrier_id(%barrier3A_117)
    %eq3A_118 = arith.constant 0 : i32
    %eq3A_119 = arith.cmpi eq, %arg1, %eq3A_118 : i32
    %convert_element_type3A_120 = arith.extui %eq3A_119 : i1 to i32
    %cond3A_121 = arith.constant 0 : i32
    %cond3A_122 = arith.cmpi ne, %convert_element_type3A_120, %cond3A_121 : i32
    scf.if %cond3A_122 {
      "tpu.region"() ({
        %run_scoped3A = tpu.sem_alloc : memref<!tpu.dma_semaphore, #tpu.memory_space<semaphore_mem>>
        %dma_start3A_123 = arith.constant 0 : i32
        %dma_start3A_124 = tpu.memref_slice %arg12[%arg0, %dma_start3A_123] : memref<2x2048xf32, #tpu.memory_space<hbm>> -> memref<1x2048xf32, #tpu.memory_space<hbm>>
        %dma_start3A_125 = tpu.memref_squeeze %dma_start3A_124 : memref<1x2048xf32, #tpu.memory_space<hbm>> -> memref<2048xf32, #tpu.memory_space<hbm>>
        tpu.enqueue_dma source(%arg30 : memref<2048xf32, #tpu.memory_space<vmem_shared>>) target(%dma_start3A_125 : memref<2048xf32, #tpu.memory_space<hbm>>) target_semaphore(%run_scoped3A : memref<!tpu.dma_semaphore, #tpu.memory_space<semaphore_mem>>)
        %dma_wait3A_126 = arith.constant 0 : i32
        %dma_wait3A_127 = tpu.memref_slice %arg12[%arg0, %dma_wait3A_126] : memref<2x2048xf32, #tpu.memory_space<hbm>> -> memref<1x2048xf32, #tpu.memory_space<hbm>>
        %dma_wait3A_128 = tpu.memref_squeeze %dma_wait3A_127 : memref<1x2048xf32, #tpu.memory_space<hbm>> -> memref<2048xf32, #tpu.memory_space<hbm>>
        tpu.wait_dma2 semaphore(%run_scoped3A : memref<!tpu.dma_semaphore, #tpu.memory_space<semaphore_mem>>) src(%arg30 : memref<2048xf32, #tpu.memory_space<vmem_shared>>) dst(%dma_wait3A_128 : memref<2048xf32, #tpu.memory_space<hbm>>)
        tpu.yield
      }) : () -> ()
    } else {
    }
    return
  }
}

module attributes {stable_mosaic.version = 14 : i64} {
  func.func @_mm_block(%arg0: i32, %arg1: i32, %arg2: memref<1024x2048xf32, #tpu.memory_space<vmem>>, %arg3: memref<1024x2048xf32, #tpu.memory_space<vmem>>, %arg4: memref<1x1024xf32, #tpu.memory_space<vmem>>, %arg5: memref<2x1024xf32, #tpu.memory_space<vmem>>, %arg6: memref<1024x1024xf32, #tpu.memory_space<vmem>>) attributes {dimension_semantics = [#tpu.dimension_semantics<arbitrary>, #tpu.dimension_semantics<arbitrary>], iteration_bounds = array<i64: 2, 8>, scalar_prefetch = 0 : i64, scratch_operands = 0 : i64, tpu.core_type = #tpu.core_type<tc>, window_params = [{transform_indices = @transform_0, window_bounds = array<i64: 1024, 2048>}, {transform_indices = @transform_1, window_bounds = array<i64: 1024, 2048>}, {transform_indices = @transform_2, window_bounds = array<i64: 1, 1024>}, {transform_indices = @transform_3, window_bounds = array<i64: 2, 1024>}, {transform_indices = @transform_4, window_bounds = array<i64: 1024, 1024>}]} {
    %get3A = arith.constant 0 : index
    %get3A_0 = arith.constant 0 : index
    %get3A_1 = vector.load %arg4[%get3A, %get3A_0] : memref<1x1024xf32, #tpu.memory_space<vmem>>, vector<1x1024xf32>
    %get3A_2 = vector.shape_cast %get3A_1 : vector<1x1024xf32> to vector<1024xf32>
    %get3A_3 = arith.constant 0 : index
    %get3A_4 = arith.constant 0 : index
    %get3A_5 = vector.load %arg5[%get3A_3, %get3A_4] : memref<2x1024xf32, #tpu.memory_space<vmem>>, vector<1x1024xf32>
    %get3A_6 = vector.shape_cast %get3A_5 : vector<1x1024xf32> to vector<1024xf32>
    %add3A = arith.addf %get3A_2, %get3A_6 : vector<1024xf32>
    %get3A_7 = arith.constant 1 : index
    %get3A_8 = arith.constant 0 : index
    %get3A_9 = vector.load %arg5[%get3A_7, %get3A_8] : memref<2x1024xf32, #tpu.memory_space<vmem>>, vector<1x1024xf32>
    %get3A_10 = vector.shape_cast %get3A_9 : vector<1x1024xf32> to vector<1024xf32>
    %add3A_11 = arith.addf %add3A, %get3A_10 : vector<1024xf32>
    %get3A_12 = arith.constant 0 : index
    %get3A_13 = arith.constant 0 : index
    %get3A_14 = vector.load %arg2[%get3A_12, %get3A_13] : memref<1024x2048xf32, #tpu.memory_space<vmem>>, vector<1024x2048xf32>
    %get3A_15 = arith.constant 0 : index
    %get3A_16 = arith.constant 0 : index
    %get3A_17 = vector.load %arg3[%get3A_15, %get3A_16] : memref<1024x2048xf32, #tpu.memory_space<vmem>>, vector<1024x2048xf32>
    %dot_general3A = arith.constant dense<0.000000e+00> : vector<1024x1024xf32>
    %dot_general3A_18 = tpu.matmul %get3A_14, %get3A_17, %dot_general3A {dimension_numbers = #tpu.dot_dimension_numbers<[1], [1], [0], [0], [0, 0, 1, 0], [], []>, transpose_lhs_hint = false} : vector<1024x2048xf32>, vector<1024x2048xf32>, vector<1024x1024xf32> -> vector<1024x1024xf32>
    %broadcast_in_dim3A = vector.shape_cast %add3A_11 : vector<1024xf32> to vector<1x1024xf32>
    %add3A_19 = vector.broadcast %broadcast_in_dim3A : vector<1x1024xf32> to vector<1024x1024xf32>
    %add3A_20 = arith.addf %dot_general3A_18, %add3A_19 : vector<1024x1024xf32>
    %swap3A = arith.constant 0 : index
    %swap3A_21 = arith.constant 0 : index
    %swap3A_22 = vector.load %arg6[%swap3A, %swap3A_21] : memref<1024x1024xf32, #tpu.memory_space<vmem>>, vector<1024x1024xf32>
    tpu.vector_store %arg6[%swap3A, %swap3A_21], %add3A_20 {strides = array<i32>} : memref<1024x1024xf32, #tpu.memory_space<vmem>>, vector<1024x1024xf32>,
    return
  }
  func.func @transform_0(%arg0: i32, %arg1: i32) -> (i32, i32) {
    %c0_i32 = arith.constant 0 : i32
    %c0_i32_0 = arith.constant 0 : i32
    return %arg1, %c0_i32 : i32, i32
  }
  func.func @transform_1(%arg0: i32, %arg1: i32) -> (i32, i32) {
    %c0_i32 = arith.constant 0 : i32
    %c0_i32_0 = arith.constant 0 : i32
    return %arg0, %c0_i32 : i32, i32
  }
  func.func @transform_2(%arg0: i32, %arg1: i32) -> (i32, i32) {
    %c0_i32 = arith.constant 0 : i32
    %c0_i32_0 = arith.constant 0 : i32
    return %c0_i32, %arg0 : i32, i32
  }
  func.func @transform_3(%arg0: i32, %arg1: i32) -> (i32, i32) {
    %c0_i32 = arith.constant 0 : i32
    %c0_i32_0 = arith.constant 0 : i32
    return %c0_i32, %arg0 : i32, i32
  }
  func.func @transform_4(%arg0: i32, %arg1: i32) -> (i32, i32) {
    %c0_i32 = arith.constant 0 : i32
    return %arg1, %arg0 : i32, i32
  }
}

</mosaic_0001>

<sc_bundles>
// kernel: kernel.4.cloned.1.call-start
scs
__scs_entry_jumppad:
0x0: {  	(pc) =	sbr.rel $0x88, $3  }
0x1: {  	(tag) =	ssettag $0x0;
	lr =	simm.s32 $0x1  }
0x2: {  	[smem:$0x3F97] =	sst lr;
	_ =	strace $0xD0000000  }
0x3: {  	_ = 	snop  }
0x4: {  	_ = 	snop  }
0x5: {  	_ = 	snop  }
0x6: {  	_ = 	snop  }
0x7: {  	_ = 	snop  }
__scs_overlays_trampoline_lowered:
0x8: {  	[smem:$0x3FA6] =	sst s0  }
0x9: {  	[smem:$0x3FA7] =	sst s1  }
0xa: {  	[smem:$0x3FA8] =	sst s2  }
0xb: {  	[smem:$0x3FA9] =	sst s3  }
0xc: {  	[smem:$0x3FAA] =	sst s4  }
0xd: {  	[smem:$0x3FAB] =	sst s5  }
0xe: {  	[smem:$0x3FAC] =	sst s6  }
0xf: {  	[smem:$0x3FAD] =	sst s7  }
0x10: {  	[smem:$0x3FAE] =	sst s8  }
0x11: {  	[smem:$0x3FAF] =	sst s9;
	s0 =	simm.s32 @!p0 $0x0  }
0x12: {  	s1 =	sld [smem:$0x3F95];
	s0 =	simm.s32 @p0 $0x1  }
0x13: {  	[smem:$0x3FB0] =	sst s0;
	s0 =	simm.s32 @!p1 $0x0  }
0x14: {  	s2 =	sld [smem:$0x3F94];
	s0 =	simm.s32 @p1 $0x1  }
0x15: {  	[smem:$0x3FB1] =	sst s0;
	s0 =	simm.s32 @!p2 $0x0  }
0x16: {  	s3 =	sld [smem:$0x3FDB];
	s0 =	simm.s32 @p2 $0x1  }
0x17: {  	s4 =	simm.s32 $0x1BF5;
	[smem:$0x3FB3] =	sst s0  }
0x18: {  	s0 =	sld [smem:$0x3F96];
	_ =	swait.ge [sflag:s4], $0x0  }
0x19: {  	s7 =	sld [smem:$0x3F97]  }
0x1a: {  	s8 =	sadd.s32 $0xFFFFE003, lr  }
0x1b: {  	s9 =	sadd.s32 $0xFFFFFEF7, lr;
	s5 =	simm.s32 $0xFFFFFFFF;
	p2 =	slt.u32 s8, $0xFFFFF086  }
0x1c: {  	p1 =	slt.u32 s9, $0xF7A;
	s5 =	simm.s32 @!p2 $0x0  }
0x1d: {  	s5 =	simm.s32 @p1 $0x1;
	p0 =	seq.s32 s7, s2  }
0x1e: {  	s7 =	smul.u32 @!p0 $0xF7A, s2;
	p2 =	seq.s32 @!p0 s5, $0x0  }
0x1f: {  	s9 =	smul.u32 $0xF7A, s1;
	s8 =	simm.s32 @!p0 $0x1BF5;
	p2 =	por !p2, p0  }
0x20: {  	[sflag:s8] =	ssyncset.s32 @!p0 $0xFFFFF086;
	s6 =	sadd.s32 @!p0 s3, s7;
	s7 =	simm.s32 @!p0 $0x108  }
0x21: {  	s3 =	sadd.s32 s3, s9;
	s6 =	sadd.s32 @!p0 $0x88, s6;
	s7 =	simm.s32 @p2 $0x1082  }
0x22: {  	[simem:s7], [sflag:s8] =	dma.local @!p0 [hbm:s6], $0xF7A  }
0x23: {  	s9 =	sor.u32 $0xD0000000, s2;
	s6 =	simm.s32 $0x108;
	_ =	swait.ge @!p0 [sflag:s8], $0x0  }
0x24: {  	s3 =	sadd.s32 $0x88, s3;
	s6 =	simm.s32 @!p1 $0x1082;
	[sflag:s4] =	ssyncset.s32 $0xFFFFF086  }
0x25: {  	[simem:s6], [sflag:s4] =	dma.local [hbm:s3], $0xF7A  }
0x26: {  	[smem:$0x3F97] =	sst s1;
	(tag) =	ssettag s2;
	_ =	strace s9  }
0x27: {  	s1 =	sld [smem:$0x3FA7]  }
0x28: {  	s2 =	sld [smem:$0x3FA8]  }
0x29: {  	s4 =	sld [smem:$0x3FAA]  }
0x2a: {  	p0 =	seq.s32 s5, $0x0;
	s5 =	sld [smem:$0x3FAB]  }
0x2b: {  	s6 =	sld [smem:$0x3FAC]  }
0x2c: {  	s7 =	sld [smem:$0x3FAD]  }
0x2d: {  	s3 =	simm.s32 $0x108;
	s8 =	sld [smem:$0x3FAE]  }
0x2e: {  	s3 =	simm.s32 @!p0 $0x1082;
	s9 =	sld [smem:$0x3FAF]  }
0x2f: {  	lr =	sadd.s32 s0, s3;
	s0 =	sld [smem:$0x3FA6]  }
0x30: {  	s3 =	sld [smem:$0x3FA9]  }
0x31: {  	[smem:$0x3FB2] =	sst s10  }
0x32: {  	s10 =	sld [smem:$0x3FB0];
	_ =	sdelay $0x3  }
0x33: {  	p0 =	seq.s32 s10, $0x1;
	s10 =	sld [smem:$0x3FB2];
	_ =	sdelay $0x3  }
0x34: {  	[smem:$0x3FB2] =	sst s10  }
0x35: {  	s10 =	sld [smem:$0x3FB1];
	_ =	sdelay $0x3  }
0x36: {  	p1 =	seq.s32 s10, $0x1;
	s10 =	sld [smem:$0x3FB2];
	_ =	sdelay $0x3  }
0x37: {  	[smem:$0x3FB2] =	sst s10  }
0x38: {  	s10 =	sld [smem:$0x3FB3]  }
0x39: {  	_ = 	snop;
	(pc) =	sbr.ind lr, $3  }
0x3a: {  	_ = 	snop  }
0x3b: {  	_ = 	snop  }
0x3c: {  	p2 =	seq.s32 s10, $0x1;
	s10 =	sld [smem:$0x3FB2]  }
0x3d: {  	_ =	shalt  }
0x3e: {  	_ =	shalt  }
0x3f: {  	_ =	shalt  }
0x40: {  	_ =	shalt  }
0x41: {  	_ =	shalt  }
0x42: {  	_ =	shalt  }
0x43: {  	_ =	shalt  }
0x44: {  	_ =	shalt  }
0x45: {  	_ =	shalt  }
0x46: {  	_ =	shalt  }
0x47: {  	_ =	shalt  }
0x48: {  	_ =	shalt  }
0x49: {  	_ =	shalt  }
0x4a: {  	_ =	shalt  }
0x4b: {  	_ =	shalt  }
0x4c: {  	_ =	shalt  }
0x4d: {  	_ =	shalt  }
0x4e: {  	_ =	shalt  }
0x4f: {  	_ =	shalt  }
0x50: {  	_ =	shalt  }
0x51: {  	_ =	shalt  }
0x52: {  	_ =	shalt  }
0x53: {  	_ =	shalt  }
0x54: {  	_ =	shalt  }
0x55: {  	_ =	shalt  }
0x56: {  	_ =	shalt  }
0x57: {  	_ =	shalt  }
0x58: {  	_ =	shalt  }
0x59: {  	_ =	shalt  }
0x5a: {  	_ =	shalt  }
0x5b: {  	_ =	shalt  }
0x5c: {  	_ =	shalt  }
0x5d: {  	_ =	shalt  }
0x5e: {  	_ =	shalt  }
0x5f: {  	_ =	shalt  }
0x60: {  	_ =	shalt  }
0x61: {  	_ =	shalt  }
0x62: {  	_ =	shalt  }
0x63: {  	_ =	shalt  }
0x64: {  	_ =	shalt  }
0x65: {  	_ =	shalt  }
0x66: {  	_ =	shalt  }
0x67: {  	_ =	shalt  }
0x68: {  	_ =	shalt  }
0x69: {  	_ =	shalt  }
0x6a: {  	_ =	shalt  }
0x6b: {  	_ =	shalt  }
0x6c: {  	_ =	shalt  }
0x6d: {  	_ =	shalt  }
0x6e: {  	_ =	shalt  }
0x6f: {  	_ =	shalt  }
0x70: {  	_ =	shalt  }
0x71: {  	_ =	shalt  }
0x72: {  	_ =	shalt  }
0x73: {  	_ =	shalt  }
0x74: {  	_ =	shalt  }
0x75: {  	_ =	shalt  }
0x76: {  	_ =	shalt  }
0x77: {  	_ =	shalt  }
0x78: {  	_ =	shalt  }
0x79: {  	_ =	shalt  }
0x7a: {  	_ =	shalt  }
0x7b: {  	_ =	shalt  }
0x7c: {  	_ =	shalt  }
0x7d: {  	_ =	shalt  }
0x7e: {  	_ =	shalt  }
0x7f: {  	_ =	shalt  }
0x80: {  	_ =	shalt  }
0x81: {  	_ =	shalt  }
0x82: {  	_ =	shalt  }
0x83: {  	_ =	shalt  }
0x84: {  	_ =	shalt  }
0x85: {  	_ =	shalt  }
0x86: {  	_ =	shalt  }
0x87: {  	_ =	shalt  }
.Lfunc_end0:
.L_simem_size_0:
called_computation_lowered:
.L_overlay_start_0:
0x88: {  	s2 =	sld [smem:$0x3FD9]  }
0x89: {  	s3 =	sld [smem:$0x3FFE];
	_ =	sdelay $0x1  }
0x8a: {  	s1 =	srdreg.scid  }
0x8b: {  	s0 =	sand.u32 $0x1, s1  }
0x8c: {  	s17 =	sshll.u32 s0, $0xA;
	s2 =	sadd.s32 s3, s2  }
0x8d: {  	s2 =	sadd.s32 s2, s17  }
0x8e: {  	[smem:$0x3FBE] =	sst s2  }
0x8f: {  	_ = 	snop  }
0x90: {  	s2 =	sld [smem:$0x3FC8]  }
0x91: {  	s18 =	sld [smem:$0x3FC5]  }
0x92: {  	s4 =	sld [smem:$0x3FC4]  }
0x93: {  	s5 =	sld [smem:$0x3FC3]  }
0x94: {  	s6 =	sld [smem:$0x3FD0];
	(tm) =	ssettm $0x1  }
0x95: {  	s7 =	sld [smem:$0x3FFB];
	_ =	sdelay $0x3  }
0x96: {  	_ =	strace s7  }
0x97: {  	s7 =	sld [smem:$0x3FFC];
	_ =	sdelay $0x3  }
0x98: {  	_ =	strace s7  }
0x99: {  	s7 =	sld [smem:$0x3FFD];
	_ =	sdelay $0x3  }
0x9a: {  	_ =	strace s7  }
0x9b: {  	_ =	strace $0x8FFFFFFF  }
0x9c: {  	s19 =	sld [smem:$0x3FDB];
	_ =	sdelay $0x1  }
0x9d: {  	s8 =	simm.s32 $_scs_section_size  }
0x9e: {  	s9 =	simm.s32 $_size__tile_overlayer_lowered;
	s10 =	simm.s32 $_tile_overlayer_lowered  }
0x9f: {  	s22 =	simm.s32 $0x1BFF;
	s21 =	sshll.u32 s10, $0x1;
	s7 =	sadd.s32 s8, s19  }
0xa0: {  	s11 =	simm.s32 $0x0;
	s20 =	sshll.u32 s9, $0x1;
	s9 =	sadd.s32 s21, s7  }
0xa1: {  	[timem:s11], [sflag:s22] =	dma.local [hbm:s9], s20  }
0xa2: {  	_ =	swait.ge [sflag:s22], s20  }
0xa3: {  	s8 =	ssub.s32 $0x0, s20;
	[sflag:s22] =	ssyncset.done $0x0  }
0xa4: {  	[sflag:s22] =	ssyncadd.s32 s8;
	_ =	sdelay $0x1  }
0xa5: {  	s23 =	simm.s32 $0x1B8B  }
0xa6: {  	_ =	swait.ge [sflag:s23], $0x1  }
0xa7: {  	[sflag:s23] =	ssyncset.done $0x0  }
0xa8: {  	s25 =	simm.s32 $0x1B8E;
	s24 =	sld [smem:$0x3FFE];
	[sflag:s23] =	ssyncadd.s32 $0xFFFFFFFF  }
0xa9: {  	s26 =	simm.s32 $execute0_lowered;
	[smem:$0x3FD2] =	sst s25  }
0xaa: {  	s9 =	sshll.u32 s26, $0x1;
	_ =	strace $0x80000046;
	[dreg:$0x1] =	wrdreg $0xFFFFFFFF  }
0xab: {  	s28 =	simm.s32 $_size_execute0_lowered;
	s7 =	sadd.s32 s7, s9;
	[dreg:$0x0] =	wrdreg $0x0  }
0xac: {  	s9 =	sshll.u32 s28, $0x1;
	[dreg:$0x2] =	wrdreg s7  }
0xad: {  	[dreg:$0x3] =	wrdreg s9  }
0xae: {  	[dreg:$0x4] =	wrdreg $0xC0  }
0xaf: {  	_ =	task [dreg:s11], $0x5FFFF  }
0xb0: {  	[dreg:$0x1] =	wrdreg $0xFFFFFFFF  }
0xb1: {  	[dreg:$0x0] =	wrdreg $0x60  }
0xb2: {  	[dreg:$0x2] =	wrdreg s2  }
0xb3: {  	[dreg:$0x3] =	wrdreg s6  }
0xb4: {  	[dreg:$0x4] =	wrdreg s18  }
0xb5: {  	[dreg:$0x5] =	wrdreg s4  }
0xb6: {  	[dreg:$0x6] =	wrdreg s5  }
0xb7: {  	[dreg:$0x7] =	wrdreg s24  }
0xb8: {  	[dreg:$0x8] =	wrdreg $0x1EA800  }
0xb9: {  	[dreg:$0x9] =	wrdreg $0xE9800  }
0xba: {  	[dreg:$0xa] =	wrdreg $0x9  }
0xbb: {  	_ =	task.clear_ibuf [dreg:s11], $0xBFFFF;
	_ =	strace $0x90000046  }
0xbc: {  	s29 =	simm.s32 $0x9;
	_ =	strace $0x80000048  }
0xbd: {  	_ =	swait.ge [sflag:s29], $0x1  }
0xbe: {  	[sflag:s29] =	ssyncadd.s32 $0xFFFFFFFF  }
0xbf: {  	_ =	strace $0x90000048  }
0xc0: {  	_ =	sfence  }
0xc1: {  	s30 =	sld [smem:$0x0];
	_ =	sdelay $0x2  }
0xc2: {  	s31 =	sshll.u32 s1, $0xD;
	s1 =	sshrl.u32 s1, $0x2  }
0xc3: {  	s3 =	sand.u32 $0x4000, s31;
	s1 =	sadd.s32 s1, s30  }
0xc4: {  	s0 =	sor.u32 s3, s0;
	s1 =	sshll.u32 s1, $0x11  }
0xc5: {  	s0 =	sor.u32 s1, s0  }
0xc6: {  	s0 =	sadd.s32 $0x8F2B, s0  }
0xc7: {  	[sflag:s0] =	ssyncadd.remote.s32 $0x1  }
0xc8: {  	_ =	sfence.sel $0xFFFF  }
0xc9: {  	[dreg:$0x0] =	wrdreg $0xFFFFFFFF;
	(pc) =	sbr.abs _section_cstart, $3  }
0xca: {  	[dreg:$0x1] =	wrdreg $0xFFFFFFFF  }
0xcb: {  	_ =	task.clear_ibuf [dreg:s11], $0x2FFFF;
	_ =	strace $0x9FFFFFFF  }
0xcc: {  	(tm) =	ssettm $0x7FFFFFFF  }
0xcd: {  	_ =	shalt  }
tec
execute0_lowered:
.L_overlay_start_1:
0x0: {  	(tag) =	ssettag $0x1  }
0x1: {  	s0 =	rddreg [dreg:$0x1]  }
0x2: {  	s1 =	rddreg [dreg:$0x2]  }
0x3: {  	s3 =	rddreg [dreg:$0x3]  }
0x4: {  	s4 =	rddreg [dreg:$0x4]  }
0x5: {  	s2 =	rddreg [dreg:$0x5]  }
0x6: {  	s21 =	rddreg [dreg:$0x6]  }
0x7: {  	s6 =	rddreg [dreg:$0x7]  }
0x8: {  	s7 =	simm.s32 $0x0;
	s8 =	srdreg.scid;
	s19 =	stileid.u32  }
0x9: {  	[smem:$0x7FF] =	sst s7;
	s5 =	sadd.s32 $0xE00, s2;
	s9 =	sadd.s32 $0x6A00, s2  }
0xa: {  	s10 =	sadd.s32 $0xC600, s2;
	s8 =	sand.u32 $0x1, s8;
	s11 =	sadd.s32 $0x12200, s2  }
0xb: {  	s30 =	sadd.s32 $0x12400, s2;
	s13 =	sshll.u32 s19, $0x10;
	s14 =	sshll.u32 s19, $0x1  }
0xc: {  	p0 =	sne.s32 s19, $0x0;
	_ =	strace $0x80000047;
	[dreg:$0x9] =	wrdreg s11  }
0xd: {  	s12 =	sshll.u32 s8, $0x4;
	s31 =	ssub.s32 $0x2, s8;
	s17 =	sshll.u32 s8, $0x15  }
0xe: {  	s8 =	sor.u32 s8, s14;
	s2 =	sadd.s32 s12, s2;
	s15 =	sshrl.u32 s31, $0x1  }
0xf: {  	s16 =	sor.u32 s13, s17;
	s18 =	sor.u32 $0x100000, s17;
	s8 =	smul.u32 $0x16C0, s8  }
0x10: {  	s20 =	sshrl.u32 s16, $0x3;
	s12 =	ssub.s32 s31, s15;
	s15 =	sadd.s32 s13, s6  }
0x11: {  	s23 =	sor.u32 s13, s18;
	s16 =	sadd.s32 s1, s13;
	[dreg:$0x14] =	wrdreg s15  }
0x12: {  	s22 =	sadd.s32 s0, s20;
	s14 =	sadd.s32 s30, s20;
	[dreg:$0x15] =	wrdreg s16  }
0x13: {  	s24 =	sshrl.u32 s23, $0x3;
	s8 =	sshrl.u32 s8, $0x3;
	[dreg:$0xa] =	wrdreg s22  }
0x14: {  	s20 =	sor.u32 $0x200, s13;
	s23 =	sadd.s32 s4, s13;
	[dreg:$0xb] =	wrdreg s14  }
0x15: {  	s15 =	simm.s32 $0x8000;
	s0 =	sadd.s32 s0, s24;
	[dreg:$0x17] =	wrdreg s23  }
0x16: {  	s16 =	simm.s32 $0x2;
	s25 =	sadd.s32 s30, s24;
	[dreg:$0xc] =	wrdreg s0  }
0x17: {  	s26 =	sadd.s32 s5, s8;
	s30 =	sadd.s32 s9, s8;
	[dreg:$0xd] =	wrdreg s25  }
0x18: {  	s31 =	sadd.s32 s10, s8;
	s11 =	sadd.s32 $0x16C, s8;
	[dreg:$0xe] =	wrdreg s26  }
0x19: {  	s22 =	sadd.s32 s3, s13;
	s24 =	sadd.s32 s1, s20;
	[dreg:$0xf] =	wrdreg s30  }
0x1a: {  	s13 =	simm.s32 $0x1;
	s8 =	simm.s32 $0xA000;
	[dreg:$0x10] =	wrdreg s31  }
0x1b: {  	s5 =	sadd.s32 s5, s11;
	s14 =	sadd.s32 s9, s11;
	[dreg:$0x16] =	wrdreg s22  }
0x1c: {  	s0 =	sadd.s32 s10, s11;
	[dreg:$0x18] =	wrdreg s24;
	s25 =	sadd.s32 s3, s20  }
0x1d: {  	s26 =	sshll.u32 s19, $0x13;
	s30 =	sadd.s32 $0x92400, s2;
	[dreg:$0x11] =	wrdreg s5  }
0x1e: {  	s31 =	smax.u32 s12, $0x1;
	s2 =	simm.s32 $0x5;
	[dreg:$0x12] =	wrdreg s14  }
0x1f: {  	s10 =	simm.s32 $0x4000;
	s11 =	simm.s32 $0x5000;
	[dreg:$0x13] =	wrdreg s0  }
0x20: {  	s12 =	simm.s32 $0x6000;
	s9 =	simm.s32 $0x9000;
	[dreg:$0x19] =	wrdreg s25  }
0x21: {  	s0 =	sadd.s32 s4, s20;
	s28 =	sor.u32 $0x2000, s26;
	[dreg:$0x1b] =	wrdreg s30  }
0x22: {  	s29 =	sor.u32 $0x3000, s26;
	[dreg:$0x1c] =	wrdreg s31;
	s14 =	simm.s32 $0x7000  }
0x23: {  	v0 =	vmov s17;
	v1 =	vmov s18;
	s20 =	simm.s32 $0x0;
	[dreg:$0x1a] =	wrdreg s0;
	s0 =	simm.s32 $0x1000  }
.LBB2_1:
0x24: {  	s5 =	rddreg [dreg:$0x0]  }
0x25: {  	[tilespmem:s7], [sflag:$0x5] =	stream.linear.gather [hbm4b:s5+s7], $0x1000, $0x38;
	[tilespmem:$0x1EB00] =	vst v63  }
0x26: {  	s18 =	sshrl.u32 @!p0 s21, $0x3;
	_ =	swait.ge [sflag:s2], $0x1000  }
0x27: {  	[dreg:$0x1d] =	wrdreg s18;
	[sflag:s2] =	ssyncset.done $0x0  }
0x28: {  	s5 =	simm.s32 @!p0 $0x1C05;
	s17 =	rddreg [dreg:$0x9];
	[sflag:s2] =	ssyncadd.s32 $0xFFFFF000  }
0x29: {  	[spmem:s18], [sflag:s5] =	dma.local @!p0 [hbm:s17], $0x100  }
0x2a: {  	s26 =	stileid.u32;
	s5 =	simm.s32 @!p0 $0x5  }
0x2b: {  	s17 =	sshll.u32 s26, $0x6;
	_ =	swait.ge @!p0 [sflag:s5], $0x100  }
0x2c: {  	s19 =	sor.u32 $0x1C05, s17;
	[sflag:s5] =	ssyncset.done @!p0 $0x0;
	s31 =	rddreg [dreg:$0x14]  }
0x2d: {  	s17 =	rddreg [dreg:$0xa];
	[sflag:s5] =	ssyncadd.s32 @!p0 $0xFFFFFF00;
	s30 =	sshrl.u32 s31, $0x3  }
0x2e: {  	[spmem:s30], [sflag:s19] =	dma.local [hbm:s17], $0x2000  }
0x2f: {  	_ =	swait.ge [sflag:s2], $0x2000  }
0x30: {  	[sflag:s2] =	ssyncset.done $0x0  }
0x31: {  	[sflag:s2] =	ssyncadd.s32 $0xFFFFE000  }
0x32: {  	[bflag:$0x0] =	sbarrier.arrive $0xFFFF  }
0x33: {  	s18 =	rddreg [dreg:$0x15]  }
0x34: {  	[tilespmem:s0], [sflag:$0x1] =	stream.linear.gather [hbm4b:s18+s7], $0x1000, $0x38;
	[tilespmem:$0x1EB00] =	vst v63  }
0x35: {  	s22 =	simm.s32 $0x2000;
	s21 =	rddreg [dreg:$0x16]  }
0x36: {  	[tilespmem:s22], [sflag:$0x1] =	stream.linear.gather [hbm4b:s21+s7], $0x1000, $0x38;
	[tilespmem:$0x1EB00] =	vst v63  }
0x37: {  	s24 =	simm.s32 $0x3000;
	s23 =	rddreg [dreg:$0x17]  }
0x38: {  	[tilespmem:s24], [sflag:$0x1] =	stream.linear.gather [hbm4b:s23+s7], $0x1000, $0x38;
	[tilespmem:$0x1EB00] =	vst v63  }
0x39: {  	s25 =	rddreg [dreg:$0x18]  }
0x3a: {  	[tilespmem:s10], [sflag:$0x2] =	stream.linear.gather [hbm4b:s25+s7], $0x1000, $0x38;
	[tilespmem:$0x1EB00] =	vst v63  }
0x3b: {  	s26 =	rddreg [dreg:$0x19]  }
0x3c: {  	[tilespmem:s11], [sflag:$0x2] =	stream.linear.gather [hbm4b:s26+s7], $0x1000, $0x38;
	[tilespmem:$0x1EB00] =	vst v63  }
0x3d: {  	s5 =	simm.s32 $0x0;
	s31 =	rddreg [dreg:$0x1a]  }
0x3e: {  	[tilespmem:s12], [sflag:$0x2] =	stream.linear.gather [hbm4b:s31+s7], $0x1000, $0x38;
	[tilespmem:$0x1EB00] =	vst v63  }
.LBB2_2:
0x3f: {  	_ =	swait.ge [sflag:s13], $0x1000  }
0x40: {  	[sflag:s13] =	ssyncset.done $0x0  }
0x41: {  	[sflag:s13] =	ssyncadd.s32 $0xFFFFF000  }
0x42: {  	_ =	swait.ge [sflag:s13], $0x1000  }
0x43: {  	[sflag:s13] =	ssyncset.done $0x0  }
0x44: {  	[sflag:s13] =	ssyncadd.s32 $0xFFFFF000  }
0x45: {  	_ =	swait.ge [sflag:s13], $0x1000  }
0x46: {  	p1 =	seq.s32 s5, $0x0;
	[sflag:s13] =	ssyncset.done $0x0  }
0x47: {  	s17 =	simm.s32 @!p1 $0x3;
	[sflag:s13] =	ssyncadd.s32 $0xFFFFF000  }
0x48: {  	_ =	swait.ge @!p1 [sflag:s17], $0x1000  }
0x49: {  	[sflag:s17] =	ssyncset.done @!p1 $0x0  }
0x4a: {  	s26 =	simm.s32 $0x3040;
	[sflag:s17] =	ssyncadd.s32 @!p1 $0xFFFFF000  }
0x4b: {  	v2 =	vld [tilespmem:s26+$0x0]  }
0x4c: {  	v7 =	vld [tilespmem:s26+$0xFFFFFFC0]  }
0x4d: {  	v3 =	vld [tilespmem:s26+$0xFFFFFFE0]  }
0x4e: {  	v11 =	vld [tilespmem:s26+$0xFFFFFFD0]  }
0x4f: {  	s22 =	simm.s32 $0x2040;
	v6 =	vld [tilespmem:s26+$0xFFFFFFF0]  }
0x50: {  	v4 =	vld [tilespmem:s22+$0xFFFFFFC0]  }
0x51: {  	v8 =	vld [tilespmem:s22+$0xFFFFFFD0]  }
0x52: {  	v9 =	vld [tilespmem:s22+$0xFFFFFFE0]  }
0x53: {  	s23 =	simm.s32 $0x1040;
	v10 =	vld [tilespmem:s22+$0xFFFFFFF0]  }
0x54: {  	v12 =	vld [tilespmem:s23+$0x30]  }
0x55: {  	v5 =	vld [tilespmem:s26+$0x20]  }
0x56: {  	v13 =	vld [tilespmem:s22+$0x0]  }
0x57: {  	v18 =	vld [tilespmem:s26+$0x10]  }
0x58: {  	v14 =	vld [tilespmem:s22+$0x10]  }
0x59: {  	v16 =	vld [tilespmem:s22+$0x20]  }
0x5a: {  	v17 =	vld [tilespmem:s22+$0x30]  }
0x5b: {  	v21 =	vld [tilespmem:s23+$0xFFFFFFC0]  }
0x5c: {  	v22 =	vld [tilespmem:s23+$0xFFFFFFE0]  }
0x5d: {  	v23 =	vld [tilespmem:s23+$0x20]  }
0x5e: {  	v20 =	vld.idx.msk [tilespmem:v8+s7+$0x0], $0xffff  }
0x5f: {  	v8 =	vld [tilespmem:s23+$0xFFFFFFD0]  }
0x60: {  	v15 =	vld.idx.msk [tilespmem:v4+s7+$0x0], $0xffff  }
0x61: {  	v19 =	vld.idx.msk [tilespmem:v10+s7+$0x0], $0xffff;
	v10 =	vand.u32 $0xFFF, v12;
	v12 =	vsub.s32 v12, v0  }
0x62: {  	v4 =	vld [tilespmem:s26+$0x30];
	v10 =	vor.u32 $0x100000, v10;
	vm0 =	vlt.u32 v12, $0x100000  }
0x63: {  	v63 =	vsub.s32 v22, v0;
	v25 =	vld.idx.msk [tilespmem:v14+s7+$0x0], $0xffff;
	v26 =	vsel vm0, v12, v10  }
0x64: {  	v16 =	vld.idx.msk [tilespmem:v16+s7+$0x0], $0xffff;
	v10 =	vsub.s32 v21, v0;
	v24 =	vsub.s32 v8, v0;
	v8 =	vand.u32 $0xFFF, v8  }
0x65: {  	v12 =	vand.u32 $0xFFF, v21;
	vm1 =	vlt.u32 v10, $0x100000;
	v14 =	vor.u32 $0x100000, v8;
	v8 =	vld [tilespmem:s23+$0xFFFFFFF0]  }
0x66: {  	v17 =	vld.idx.msk [tilespmem:v17+s7+$0x0], $0xffff;
	v6 =	vmul.f32 v19, v6;
	v19 =	vsub.s32 v23, v0;
	vm0 =	vlt.u32 v24, $0x100000  }
0x67: {  	s24 =	simm.s32 $0x7040;
	v20 =	vmul.f32 v20, v11;
	v21 =	vsel vm0, v24, v14;
	v14 =	vld.idx.msk [tilespmem:v9+s7+$0x0], $0xffff;
	v9 =	vand.u32 $0xFFF, v22  }
0x68: {  	v11 =	vmul.f32 v15, v7;
	vm0 =	vlt.u32 v63, $0x100000;
	[tilespmem:s24+$0xFFFFFFD0] =	vst v21;
	v21 =	vor.u32 $0x100000, v9;
	v9 =	vld.idx.msk [tilespmem:v13+s7+$0x0], $0xffff  }
0x69: {  	s21 =	sshll.u32 s5, $0xD;
	s25 =	simm.s32 $0x8040;
	s18 =	simm.s32 $0x70C0;
	[tilespmem:s24+$0x30] =	vst v26;
	v15 =	vld [tilespmem:s23+$0x0];
	v7 =	vmul.f32 v25, v18;
	v22 =	vand.u32 $0xFFF, v23;
	v13 =	vsel vm0, v63, v21  }
0x6a: {  	s31 =	simm.s32 $0x80C0;
	s17 =	simm.s32 $0x30C0;
	s26 =	simm.s32 $0x0;
	vm0 =	vlt.u32 v19, $0x100000;
	v21 =	vor.u32 $0x100000, v22;
	[tilespmem:s24+$0xFFFFFFE0] =	vst v13;
	v13 =	vld [tilespmem:s23+$0x10];
	v18 =	vand.u32 $0xFFF, v8  }
.LBB2_3:
0x6b: {  	v22 =	vld [tilespmem:s17+$0x0];
	s26 =	sadd.s32 $0x80, s26;
	v12 =	vor.u32 $0x100000, v12;
	[tilespmem:s25+$0xFFFFFFD0] =	vst v20;
	v19 =	vsel vm0, v19, v21;
	v5 =	vmul.f32 v16, v5;
	s23 =	sadd.s32 $0x80, s23;
	s22 =	sadd.s32 $0x80, s22  }
0x6c: {  	v21 =	vld [tilespmem:s17+$0xFFFFFFC0];
	p2 =	slt.u32 s26, $0xF80;
	v10 =	vsel vm1, v10, v12;
	v12 =	vmul.f32 v14, v3;
	[tilespmem:s24+$0x20] =	vst v19  }
0x6d: {  	v9 =	vmul.f32 v9, v2;
	v3 =	vld [tilespmem:s17+$0xFFFFFFE0];
	[tilespmem:s25+$0x20] =	vst v5  }
0x6e: {  	v16 =	vsub.s32 v8, v0;
	v4 =	vmul.f32 v17, v4;
	v20 =	vld [tilespmem:s17+$0xFFFFFFD0];
	[tilespmem:s25+$0xFFFFFFE0] =	vst v12;
	v5 =	vsub.s32 v15, v0  }
0x6f: {  	v8 =	vor.u32 $0x100000, v18;
	vm0 =	vlt.u32 v16, $0x100000;
	v17 =	vld [tilespmem:s17+$0xFFFFFFF0];
	[tilespmem:s24+$0xFFFFFFC0] =	vst v10;
	v10 =	vsub.s32 v13, v0  }
0x70: {  	v8 =	vsel vm0, v16, v8;
	v14 =	vand.u32 $0xFFF, v15;
	vm0 =	vlt.u32 v5, $0x100000;
	v12 =	vld [tilespmem:s22+$0xFFFFFFC0];
	[tilespmem:s25+$0x30] =	vst v4;
	v2 =	vmovc v22  }
0x71: {  	v4 =	vor.u32 $0x100000, v14;
	vm1 =	vlt.u32 v10, $0x100000;
	v15 =	vld [tilespmem:s22+$0xFFFFFFD0];
	[tilespmem:s25+$0xFFFFFFC0] =	vst v11;
	v11 =	vand.u32 $0xFFF, v13  }
0x72: {  	v4 =	vsel vm0, v5, v4;
	v13 =	vld [tilespmem:s22+$0xFFFFFFE0];
	[tilespmem:s24+$0xFFFFFFF0] =	vst v8;
	v5 =	vor.u32 $0x100000, v11  }
0x73: {  	v8 =	vld [tilespmem:s22+$0xFFFFFFF0];
	[tilespmem:s24+$0x0] =	vst v4;
	v4 =	vsel vm1, v10, v5  }
0x74: {  	v10 =	vld [tilespmem:s23+$0x30];
	[tilespmem:s25+$0xFFFFFFF0] =	vst v6  }
0x75: {  	v5 =	vld [tilespmem:s17+$0x20];
	[tilespmem:s24+$0x10] =	vst v4;
	s24 =	smov.u32 s18  }
0x76: {  	v11 =	vld [tilespmem:s22+$0x0];
	[tilespmem:s25+$0x10] =	vst v7  }
0x77: {  	v7 =	vld [tilespmem:s17+$0x10];
	[tilespmem:s25+$0x0] =	vst v9;
	s25 =	smov.u32 s31  }
0x78: {  	v18 =	vld.idx.msk [tilespmem:v12+s7+$0x0], $0xffff  }
0x79: {  	v6 =	vld [tilespmem:s22+$0x10];
	v9 =	vand.u32 $0xFFF, v10  }
0x7a: {  	v14 =	vld [tilespmem:s22+$0x20]  }
0x7b: {  	v4 =	vld [tilespmem:s17+$0x30]  }
0x7c: {  	v15 =	vld.idx.msk [tilespmem:v15+s7+$0x0], $0xffff  }
0x7d: {  	v22 =	vld [tilespmem:s22+$0x30]  }
0x7e: {  	v12 =	vld [tilespmem:s23+$0xFFFFFFD0]  }
0x7f: {  	v19 =	vld.idx.msk [tilespmem:v8+s7+$0x0], $0xffff  }
0x80: {  	v9 =	vor.u32 $0x100000, v9;
	v8 =	vsub.s32 v10, v0;
	v16 =	vld [tilespmem:s23+$0xFFFFFFC0]  }
0x81: {  	vm0 =	vlt.u32 v8, $0x100000;
	v23 =	vld [tilespmem:s23+$0xFFFFFFE0]  }
0x82: {  	v25 =	vsel vm0, v8, v9;
	v24 =	vld [tilespmem:s23+$0x20]  }
0x83: {  	v9 =	vsub.s32 v12, v0;
	v8 =	vand.u32 $0xFFF, v12;
	v26 =	vld.idx.msk [tilespmem:v6+s7+$0x0], $0xffff  }
0x84: {  	vm0 =	vlt.u32 v9, $0x100000;
	v6 =	vor.u32 $0x100000, v8;
	v8 =	vld [tilespmem:s23+$0xFFFFFFF0]  }
0x85: {  	v10 =	vsub.s32 v16, v0;
	v12 =	vand.u32 $0xFFF, v16;
	v6 =	vsel vm0, v9, v6;
	v16 =	vld.idx.msk [tilespmem:v14+s7+$0x0], $0xffff  }
.Ltmp0:
0x86: {  	[tilespmem:s18+$0xFFFFFFD0] =	vst v6;
	v14 =	vld.idx.msk [tilespmem:v13+s7+$0x0], $0xffff;
	v13 =	vsub.s32 v23, v0;
	v23 =	vand.u32 $0xFFF, v23;
	v6 =	vmul.f32 v19, v17;
	(pc) =	sbr.rel @p2 .LBB2_3-.Ltmp0, $4  }
0x87: {  	vm1 =	vlt.u32 v13, $0x100000;
	v9 =	vld.idx.msk [tilespmem:v11+s7+$0x0], $0xffff;
	v19 =	vsub.s32 v24, v0;
	v24 =	vand.u32 $0xFFF, v24  }
0x88: {  	v20 =	vmul.f32 v15, v20;
	v15 =	vor.u32 $0x100000, v23;
	vm0 =	vlt.u32 v19, $0x100000;
	v17 =	vld.idx.msk [tilespmem:v22+s7+$0x0], $0xffff  }
0x89: {  	v11 =	vmul.f32 v18, v21;
	v13 =	vsel vm1, v13, v15;
	v7 =	vmul.f32 v26, v7;
	v15 =	vld [tilespmem:s23+$0x0];
	[tilespmem:s18+$0x30] =	vst v25  }
0x8a: {  	s31 =	sadd.s32 $0x80, s31;
	s17 =	sadd.s32 $0x80, s17;
	vm1 =	vlt.u32 v10, $0x100000;
	v21 =	vor.u32 $0x100000, v24;
	v18 =	vand.u32 $0xFFF, v8;
	s18 =	sadd.s32 $0x80, s18;
	[tilespmem:s24+$0xFFFFFFE0] =	vst v13;
	v13 =	vld [tilespmem:s23+$0x10]  }
0x8b: {  	[tilespmem:s25+$0xFFFFFFD0] =	vst v20;
	v19 =	vsel vm0, v19, v21;
	v5 =	vmul.f32 v16, v5  }
0x8c: {  	v3 =	vmul.f32 v14, v3;
	[tilespmem:s24+$0x20] =	vst v19  }
0x8d: {  	v12 =	vor.u32 $0x100000, v12;
	[tilespmem:s25+$0x20] =	vst v5  }
0x8e: {  	v5 =	vsel vm1, v10, v12;
	[tilespmem:s25+$0xFFFFFFE0] =	vst v3;
	v3 =	vmul.f32 v17, v4  }
0x8f: {  	v4 =	vsub.s32 v8, v0;
	v8 =	vsub.s32 v15, v0;
	[tilespmem:s24+$0xFFFFFFC0] =	vst v5  }
0x90: {  	vm0 =	vlt.u32 v4, $0x100000;
	v5 =	vor.u32 $0x100000, v18;
	v10 =	vand.u32 $0xFFF, v15;
	[tilespmem:s25+$0x30] =	vst v3  }
0x91: {  	v3 =	vsel vm0, v4, v5;
	vm0 =	vlt.u32 v8, $0x100000;
	[tilespmem:s25+$0xFFFFFFC0] =	vst v11;
	v4 =	vor.u32 $0x100000, v10  }
0x92: {  	v5 =	vsub.s32 v13, v0;
	v10 =	vand.u32 $0xFFF, v13;
	[tilespmem:s24+$0xFFFFFFF0] =	vst v3;
	v3 =	vsel vm0, v8, v4  }
0x93: {  	vm0 =	vlt.u32 v5, $0x100000;
	v4 =	vor.u32 $0x100000, v10;
	[tilespmem:s24+$0x0] =	vst v3  }
0x94: {  	v2 =	vmul.f32 v9, v2;
	v3 =	vsel vm0, v5, v4;
	[tilespmem:s25+$0xFFFFFFF0] =	vst v6  }
0x95: {  	p2 =	seq.s32 s5, $0x3F;
	[tilespmem:s24+$0x10] =	vst v3  }
0x96: {  	s17 =	sadd.s32 @!p2 s21, s28;
	[tilespmem:s25+$0x0] =	vst v2  }
0x97: {  	s17 =	sshrl.u32 @!p2 s17, $0x3;
	[tilespmem:s25+$0x10] =	vst v7  }
0x98: {  	[spmem:s6] =	stream.indirect.scatter.add.f32 [tilespmem:s15], [sflag:$0x3], $0x1, s14, s0, $0xb8;
	[tilespmem:$0x1EB00] =	vst v63  }
0x99: {  	s22 =	simm.s32 @!p2 $0x0;
	s23 =	simm.s32 @!p2 $0x1000;
	s18 =	sadd.s32 @!p2 s1, s17  }
0x9a: {  	[tilespmem:s23], [sflag:$0x1] =	stream.linear.gather @!p2 [hbm4b:s18+s22], $0x1000, $0x38;
	[tilespmem:$0x1EB00] =	vst v63  }
0x9b: {  	s18 =	sadd.s32 @!p2 s3, s17;
	s23 =	simm.s32 @!p2 $0x2000  }
0x9c: {  	[tilespmem:s23], [sflag:$0x1] =	stream.linear.gather @!p2 [hbm4b:s18+s22], $0x1000, $0x38;
	[tilespmem:$0x1EB00] =	vst v63  }
0x9d: {  	s17 =	sadd.s32 @!p2 s4, s17;
	s18 =	simm.s32 @!p2 $0x3000  }
0x9e: {  	[tilespmem:s18], [sflag:$0x1] =	stream.linear.gather @!p2 [hbm4b:s17+s22], $0x1000, $0x38;
	[tilespmem:$0x1EB00] =	vst v63  }
0x9f: {  	_ =	swait.ge [sflag:s16], $0x1000  }
0xa0: {  	[sflag:s16] =	ssyncset.done $0x0  }
0xa1: {  	[sflag:s16] =	ssyncadd.s32 $0xFFFFF000  }
0xa2: {  	_ =	swait.ge [sflag:s16], $0x1000  }
0xa3: {  	[sflag:s16] =	ssyncset.done $0x0  }
0xa4: {  	[sflag:s16] =	ssyncadd.s32 $0xFFFFF000  }
0xa5: {  	_ =	swait.ge [sflag:s16], $0x1000  }
0xa6: {  	[sflag:s16] =	ssyncset.done $0x0  }
0xa7: {  	s17 =	simm.s32 @!p1 $0x4;
	[sflag:s16] =	ssyncadd.s32 $0xFFFFF000  }
0xa8: {  	_ =	swait.ge @!p1 [sflag:s17], $0x1000  }
0xa9: {  	[sflag:s17] =	ssyncset.done @!p1 $0x0  }
0xaa: {  	s26 =	simm.s32 $0x6040;
	[sflag:s17] =	ssyncadd.s32 @!p1 $0xFFFFF000  }
0xab: {  	v2 =	vld [tilespmem:s26+$0x0]  }
0xac: {  	v7 =	vld [tilespmem:s26+$0xFFFFFFC0]  }
0xad: {  	v3 =	vld [tilespmem:s26+$0xFFFFFFE0]  }
0xae: {  	v11 =	vld [tilespmem:s26+$0xFFFFFFD0]  }
0xaf: {  	s22 =	simm.s32 $0x5040;
	v6 =	vld [tilespmem:s26+$0xFFFFFFF0]  }
0xb0: {  	v4 =	vld [tilespmem:s22+$0xFFFFFFC0]  }
0xb1: {  	v8 =	vld [tilespmem:s22+$0xFFFFFFD0]  }
0xb2: {  	v9 =	vld [tilespmem:s22+$0xFFFFFFE0]  }
0xb3: {  	s23 =	simm.s32 $0x4040;
	v10 =	vld [tilespmem:s22+$0xFFFFFFF0]  }
0xb4: {  	v12 =	vld [tilespmem:s23+$0x30]  }
0xb5: {  	v5 =	vld [tilespmem:s26+$0x20]  }
0xb6: {  	v15 =	vld [tilespmem:s22+$0x0]  }
0xb7: {  	v18 =	vld [tilespmem:s26+$0x10]  }
0xb8: {  	v13 =	vld [tilespmem:s22+$0x10]  }
0xb9: {  	v14 =	vld [tilespmem:s22+$0x20]  }
0xba: {  	v17 =	vld [tilespmem:s22+$0x30]  }
0xbb: {  	v16 =	vld [tilespmem:s23+$0xFFFFFFC0]  }
0xbc: {  	v22 =	vld [tilespmem:s23+$0xFFFFFFE0]  }
0xbd: {  	v23 =	vld [tilespmem:s23+$0x20]  }
0xbe: {  	v20 =	vld.idx.msk [tilespmem:v8+s7+$0x0], $0xffff  }
0xbf: {  	v8 =	vld [tilespmem:s23+$0xFFFFFFD0]  }
0xc0: {  	v21 =	vld.idx.msk [tilespmem:v4+s7+$0x0], $0xffff  }
0xc1: {  	v19 =	vld.idx.msk [tilespmem:v10+s7+$0x0], $0xffff;
	v10 =	vand.u32 $0xFFF, v12;
	v12 =	vsub.s32 v12, v0  }
0xc2: {  	v25 =	vld.idx.msk [tilespmem:v13+s7+$0x0], $0xffff;
	v10 =	vor.u32 $0x100000, v10;
	vm0 =	vlt.u32 v12, $0x100000  }
0xc3: {  	v13 =	vand.u32 $0xFFF, v16;
	v12 =	vsel vm0, v12, v10;
	v10 =	vsub.s32 v16, v0;
	v16 =	vld.idx.msk [tilespmem:v14+s7+$0x0], $0xffff  }
0xc4: {  	v14 =	vld.idx.msk [tilespmem:v9+s7+$0x0], $0xffff;
	v24 =	vsub.s32 v8, v0;
	v8 =	vand.u32 $0xFFF, v8  }
0xc5: {  	v63 =	vsub.s32 v22, v0;
	v9 =	vand.u32 $0xFFF, v22;
	v26 =	vor.u32 $0x100000, v8;
	v8 =	vld [tilespmem:s23+$0xFFFFFFF0]  }
0xc6: {  	v4 =	vld [tilespmem:s26+$0x30];
	v22 =	vor.u32 $0x100000, v9;
	vm1 =	vlt.u32 v10, $0x100000;
	v6 =	vmul.f32 v19, v6  }
0xc7: {  	s24 =	simm.s32 $0x9040;
	v17 =	vld.idx.msk [tilespmem:v17+s7+$0x0], $0xffff;
	v19 =	vsub.s32 v23, v0;
	v23 =	vand.u32 $0xFFF, v23;
	vm0 =	vlt.u32 v24, $0x100000  }
0xc8: {  	v9 =	vld.idx.msk [tilespmem:v15+s7+$0x0], $0xffff;
	[tilespmem:s24+$0x30] =	vst v12;
	v20 =	vmul.f32 v20, v11;
	v24 =	vsel vm0, v24, v26;
	vm0 =	vlt.u32 v63, $0x100000  }
0xc9: {  	s31 =	simm.s32 $0xA0C0;
	s25 =	simm.s32 $0xA040;
	v15 =	vld [tilespmem:s23+$0x0];
	v11 =	vmul.f32 v21, v7;
	v7 =	vmul.f32 v25, v18;
	[tilespmem:s24+$0xFFFFFFD0] =	vst v24;
	v22 =	vsel vm0, v63, v22  }
0xca: {  	s18 =	simm.s32 $0x90C0;
	s17 =	simm.s32 $0x60C0;
	s26 =	simm.s32 $0x0;
	v12 =	vld [tilespmem:s23+$0x10];
	v21 =	vor.u32 $0x100000, v23;
	vm0 =	vlt.u32 v19, $0x100000;
	[tilespmem:s24+$0xFFFFFFE0] =	vst v22;
	v18 =	vand.u32 $0xFFF, v8  }
.LBB2_5:
0xcb: {  	v22 =	vld [tilespmem:s17+$0x0];
	s26 =	sadd.s32 $0x80, s26;
	v13 =	vor.u32 $0x100000, v13;
	[tilespmem:s25+$0xFFFFFFD0] =	vst v20;
	v19 =	vsel vm0, v19, v21;
	v5 =	vmul.f32 v16, v5;
	s23 =	sadd.s32 $0x80, s23;
	s22 =	sadd.s32 $0x80, s22  }
0xcc: {  	v21 =	vld [tilespmem:s17+$0xFFFFFFC0];
	p1 =	slt.u32 s26, $0xF80;
	v10 =	vsel vm1, v10, v13;
	v13 =	vmul.f32 v14, v3;
	[tilespmem:s24+$0x20] =	vst v19  }
0xcd: {  	v9 =	vmul.f32 v9, v2;
	v3 =	vld [tilespmem:s17+$0xFFFFFFE0];
	[tilespmem:s25+$0x20] =	vst v5  }
0xce: {  	v16 =	vsub.s32 v8, v0;
	v4 =	vmul.f32 v17, v4;
	v20 =	vld [tilespmem:s17+$0xFFFFFFD0];
	[tilespmem:s25+$0xFFFFFFE0] =	vst v13;
	v5 =	vsub.s32 v15, v0  }
0xcf: {  	v8 =	vor.u32 $0x100000, v18;
	vm0 =	vlt.u32 v16, $0x100000;
	v17 =	vld [tilespmem:s17+$0xFFFFFFF0];
	[tilespmem:s24+$0xFFFFFFC0] =	vst v10;
	v10 =	vsub.s32 v12, v0  }
0xd0: {  	v8 =	vsel vm0, v16, v8;
	v14 =	vand.u32 $0xFFF, v15;
	vm0 =	vlt.u32 v5, $0x100000;
	v13 =	vld [tilespmem:s22+$0xFFFFFFC0];
	[tilespmem:s25+$0x30] =	vst v4;
	v2 =	vmovc v22  }
0xd1: {  	v4 =	vor.u32 $0x100000, v14;
	vm1 =	vlt.u32 v10, $0x100000;
	v15 =	vld [tilespmem:s22+$0xFFFFFFD0];
	[tilespmem:s25+$0xFFFFFFC0] =	vst v11;
	v11 =	vand.u32 $0xFFF, v12  }
0xd2: {  	v4 =	vsel vm0, v5, v4;
	v12 =	vld [tilespmem:s22+$0xFFFFFFE0];
	[tilespmem:s24+$0xFFFFFFF0] =	vst v8;
	v5 =	vor.u32 $0x100000, v11  }
0xd3: {  	v8 =	vld [tilespmem:s22+$0xFFFFFFF0];
	[tilespmem:s24+$0x0] =	vst v4;
	v4 =	vsel vm1, v10, v5  }
0xd4: {  	v10 =	vld [tilespmem:s23+$0x30];
	[tilespmem:s25+$0xFFFFFFF0] =	vst v6  }
0xd5: {  	v5 =	vld [tilespmem:s17+$0x20];
	[tilespmem:s24+$0x10] =	vst v4;
	s24 =	smov.u32 s18  }
0xd6: {  	v11 =	vld [tilespmem:s22+$0x0];
	[tilespmem:s25+$0x10] =	vst v7  }
0xd7: {  	v7 =	vld [tilespmem:s17+$0x10];
	[tilespmem:s25+$0x0] =	vst v9;
	s25 =	smov.u32 s31  }
0xd8: {  	v18 =	vld.idx.msk [tilespmem:v13+s7+$0x0], $0xffff  }
0xd9: {  	v6 =	vld [tilespmem:s22+$0x10];
	v9 =	vand.u32 $0xFFF, v10  }
0xda: {  	v14 =	vld [tilespmem:s22+$0x20]  }
0xdb: {  	v4 =	vld [tilespmem:s17+$0x30]  }
0xdc: {  	v15 =	vld.idx.msk [tilespmem:v15+s7+$0x0], $0xffff  }
0xdd: {  	v22 =	vld [tilespmem:s22+$0x30]  }
0xde: {  	v13 =	vld [tilespmem:s23+$0xFFFFFFD0]  }
0xdf: {  	v19 =	vld.idx.msk [tilespmem:v8+s7+$0x0], $0xffff  }
0xe0: {  	v9 =	vor.u32 $0x100000, v9;
	v8 =	vsub.s32 v10, v0;
	v16 =	vld [tilespmem:s23+$0xFFFFFFC0]  }
0xe1: {  	vm0 =	vlt.u32 v8, $0x100000;
	v23 =	vld [tilespmem:s23+$0xFFFFFFE0]  }
0xe2: {  	v25 =	vsel vm0, v8, v9;
	v24 =	vld [tilespmem:s23+$0x20]  }
0xe3: {  	v9 =	vsub.s32 v13, v0;
	v8 =	vand.u32 $0xFFF, v13;
	v26 =	vld.idx.msk [tilespmem:v6+s7+$0x0], $0xffff  }
0xe4: {  	vm0 =	vlt.u32 v9, $0x100000;
	v6 =	vor.u32 $0x100000, v8;
	v8 =	vld [tilespmem:s23+$0xFFFFFFF0]  }
0xe5: {  	v10 =	vsub.s32 v16, v0;
	v13 =	vand.u32 $0xFFF, v16;
	v6 =	vsel vm0, v9, v6;
	v16 =	vld.idx.msk [tilespmem:v14+s7+$0x0], $0xffff  }
.Ltmp1:
0xe6: {  	[tilespmem:s18+$0xFFFFFFD0] =	vst v6;
	v14 =	vld.idx.msk [tilespmem:v12+s7+$0x0], $0xffff;
	v12 =	vsub.s32 v23, v0;
	v23 =	vand.u32 $0xFFF, v23;
	v6 =	vmul.f32 v19, v17;
	(pc) =	sbr.rel @p1 .LBB2_5-.Ltmp1, $4  }
0xe7: {  	vm1 =	vlt.u32 v12, $0x100000;
	v9 =	vld.idx.msk [tilespmem:v11+s7+$0x0], $0xffff;
	v19 =	vsub.s32 v24, v0;
	v24 =	vand.u32 $0xFFF, v24  }
0xe8: {  	v20 =	vmul.f32 v15, v20;
	v15 =	vor.u32 $0x100000, v23;
	vm0 =	vlt.u32 v19, $0x100000;
	v17 =	vld.idx.msk [tilespmem:v22+s7+$0x0], $0xffff  }
0xe9: {  	v11 =	vmul.f32 v18, v21;
	v12 =	vsel vm1, v12, v15;
	v7 =	vmul.f32 v26, v7;
	v15 =	vld [tilespmem:s23+$0x0];
	[tilespmem:s18+$0x30] =	vst v25  }
0xea: {  	s31 =	sadd.s32 $0x80, s31;
	s17 =	sadd.s32 $0x80, s17;
	vm1 =	vlt.u32 v10, $0x100000;
	v21 =	vor.u32 $0x100000, v24;
	v18 =	vand.u32 $0xFFF, v8;
	s18 =	sadd.s32 $0x80, s18;
	[tilespmem:s24+$0xFFFFFFE0] =	vst v12;
	v12 =	vld [tilespmem:s23+$0x10]  }
0xeb: {  	[tilespmem:s25+$0xFFFFFFD0] =	vst v20;
	v19 =	vsel vm0, v19, v21;
	v5 =	vmul.f32 v16, v5  }
0xec: {  	v3 =	vmul.f32 v14, v3;
	[tilespmem:s24+$0x20] =	vst v19  }
0xed: {  	v13 =	vor.u32 $0x100000, v13;
	[tilespmem:s25+$0x20] =	vst v5  }
0xee: {  	v55 =	vsel vm1, v10, v13;
	[tilespmem:s25+$0xFFFFFFE0] =	vst v3  }
0xef: {  	v56 =	vsub.s32 v8, v0;
	v58 =	vor.u32 $0x100000, v18;
	v3 =	vmul.f32 v17, v4;
	[tilespmem:s24+$0xFFFFFFC0] =	vst v55  }
0xf0: {  	vm13 =	vlt.u32 v56, $0x100000;
	v57 =	vsub.s32 v15, v0;
	v59 =	vand.u32 $0xFFF, v15;
	[tilespmem:s25+$0xFFFFFFC0] =	vst v11  }
0xf1: {  	[tilespmem:s25+$0x30] =	vst v3;
	v3 =	vsel vm13, v56, v58;
	vm14 =	vlt.u32 v57, $0x100000;
	v60 =	vor.u32 $0x100000, v59  }
0xf2: {  	v61 =	vsub.s32 v12, v0;
	v62 =	vand.u32 $0xFFF, v12;
	[tilespmem:s24+$0xFFFFFFF0] =	vst v3;
	v3 =	vsel vm14, v57, v60  }
0xf3: {  	vm15 =	vlt.u32 v61, $0x100000;
	v63 =	vor.u32 $0x100000, v62;
	[tilespmem:s24+$0x0] =	vst v3  }
.Ltmp2:
0xf4: {  	v2 =	vmul.f32 v9, v2;
	v3 =	vsel vm15, v61, v63;
	[tilespmem:s25+$0xFFFFFFF0] =	vst v6;
	(pc) =	sbr.rel @p2 .LBB2_8-.Ltmp2, $4  }
0xf5: {  	[tilespmem:s24+$0x10] =	vst v3  }
0xf6: {  	[tilespmem:s25+$0x0] =	vst v2  }
0xf7: {  	[tilespmem:s25+$0x10] =	vst v7  }
0xf8: {  	[spmem:s6] =	stream.indirect.scatter.add.f32 [tilespmem:s8], [sflag:$0x4], $0x1, s9, s0, $0xb8;
	[tilespmem:$0x1EB00] =	vst v63  }
0xf9: {  	s17 =	sadd.s32 s21, s29  }
0xfa: {  	s17 =	sshrl.u32 s17, $0x3  }
0xfb: {  	s18 =	sadd.s32 s1, s17  }
0xfc: {  	[tilespmem:s10], [sflag:$0x2] =	stream.linear.gather [hbm4b:s18+s7], $0x1000, $0x38;
	[tilespmem:$0x1EB00] =	vst v63  }
.Ltmp3:
0xfd: {  	_ = 	snop;
	(pc) =	sbr.rel .LBB2_2-.Ltmp3, $4  }
0xfe: {  	s31 =	sadd.s32 s3, s17  }
0xff: {  	[tilespmem:s11], [sflag:$0x2] =	stream.linear.gather [hbm4b:s31+s7], $0x1000, $0x38;
	[tilespmem:$0x1EB00] =	vst v63  }
0x100: {  	s5 =	sadd.s32 $0x1, s5;
	s17 =	sadd.s32 s4, s17  }
0x101: {  	[tilespmem:s12], [sflag:$0x2] =	stream.linear.gather [hbm4b:s17+s7], $0x1000, $0x38;
	[tilespmem:$0x1EB00] =	vst v63  }
.LBB2_8:
0x102: {  	s5 =	simm.s32 $0x3  }
0x103: {  	_ =	swait.ge [sflag:s5], $0x1000  }
0x104: {  	[sflag:s5] =	ssyncset.done $0x0  }
0x105: {  	s17 =	simm.s32 $0x4;
	[sflag:s5] =	ssyncadd.s32 $0xFFFFF000  }
0x106: {  	_ =	swait.ge [sflag:s17], $0x1000  }
0x107: {  	[sflag:s17] =	ssyncset.done $0x0  }
0x108: {  	[sflag:s17] =	ssyncadd.s32 $0xFFFFF000  }
0x109: {  	[bflag:$0x0] =	sbarrier.arrive $0xFFFF  }
0x10a: {  	s18 =	rddreg [dreg:$0xb]  }
0x10b: {  	[hbm:s18], [sflag:s19] =	dma.local [spmem:s30], $0x2000  }
0x10c: {  	_ =	swait.ge [sflag:s2], $0x2000  }
0x10d: {  	[sflag:s2] =	ssyncset.done $0x0  }
0x10e: {  	[sflag:s2] =	ssyncadd.s32 $0xFFFFE000  }
0x10f: {  	[bflag:$0x0] =	sbarrier.arrive $0xFFFF  }
0x110: {  	s21 =	rddreg [dreg:$0xc]  }
0x111: {  	[spmem:s30], [sflag:s19] =	dma.local [hbm:s21], $0x2000  }
0x112: {  	_ =	swait.ge [sflag:s2], $0x2000  }
0x113: {  	[sflag:s2] =	ssyncset.done $0x0  }
0x114: {  	[sflag:s2] =	ssyncadd.s32 $0xFFFFE000  }
0x115: {  	[bflag:$0x0] =	sbarrier.arrive $0xFFFF  }
0x116: {  	s5 =	simm.s32 $0x0;
	s17 =	rddreg [dreg:$0x15]  }
0x117: {  	[tilespmem:s0], [sflag:$0x1] =	stream.linear.gather [hbm4b:s17+s5], $0x1000, $0x38;
	[tilespmem:$0x1EB00] =	vst v63  }
0x118: {  	s18 =	simm.s32 $0x2000;
	s22 =	rddreg [dreg:$0x16]  }
0x119: {  	[tilespmem:s18], [sflag:$0x1] =	stream.linear.gather [hbm4b:s22+s5], $0x1000, $0x38;
	[tilespmem:$0x1EB00] =	vst v63  }
0x11a: {  	s24 =	simm.s32 $0x3000;
	s23 =	rddreg [dreg:$0x17]  }
0x11b: {  	[tilespmem:s24], [sflag:$0x1] =	stream.linear.gather [hbm4b:s23+s5], $0x1000, $0x38;
	[tilespmem:$0x1EB00] =	vst v63  }
0x11c: {  	s25 =	rddreg [dreg:$0x18]  }
0x11d: {  	[tilespmem:s10], [sflag:$0x2] =	stream.linear.gather [hbm4b:s25+s5], $0x1000, $0x38;
	[tilespmem:$0x1EB00] =	vst v63  }
0x11e: {  	s26 =	rddreg [dreg:$0x19]  }
0x11f: {  	[tilespmem:s11], [sflag:$0x2] =	stream.linear.gather [hbm4b:s26+s5], $0x1000, $0x38;
	[tilespmem:$0x1EB00] =	vst v63  }
0x120: {  	s31 =	rddreg [dreg:$0x1a]  }
0x121: {  	[tilespmem:s12], [sflag:$0x2] =	stream.linear.gather [hbm4b:s31+s5], $0x1000, $0x38;
	[tilespmem:$0x1EB00] =	vst v63  }
.LBB2_9:
0x122: {  	_ =	swait.ge [sflag:s13], $0x1000  }
0x123: {  	[sflag:s13] =	ssyncset.done $0x0  }
0x124: {  	[sflag:s13] =	ssyncadd.s32 $0xFFFFF000  }
0x125: {  	_ =	swait.ge [sflag:s13], $0x1000  }
0x126: {  	[sflag:s13] =	ssyncset.done $0x0  }
0x127: {  	[sflag:s13] =	ssyncadd.s32 $0xFFFFF000  }
0x128: {  	_ =	swait.ge [sflag:s13], $0x1000  }
0x129: {  	p1 =	seq.s32 s5, $0x0;
	[sflag:s13] =	ssyncset.done $0x0  }
0x12a: {  	s17 =	simm.s32 @!p1 $0x3;
	[sflag:s13] =	ssyncadd.s32 $0xFFFFF000  }
0x12b: {  	_ =	swait.ge @!p1 [sflag:s17], $0x1000  }
0x12c: {  	[sflag:s17] =	ssyncset.done @!p1 $0x0  }
0x12d: {  	s26 =	simm.s32 $0x3040;
	[sflag:s17] =	ssyncadd.s32 @!p1 $0xFFFFF000  }
0x12e: {  	v2 =	vld [tilespmem:s26+$0x0]  }
0x12f: {  	v7 =	vld [tilespmem:s26+$0xFFFFFFC0]  }
0x130: {  	v3 =	vld [tilespmem:s26+$0xFFFFFFE0]  }
0x131: {  	v11 =	vld [tilespmem:s26+$0xFFFFFFD0]  }
0x132: {  	s22 =	simm.s32 $0x2040;
	v6 =	vld [tilespmem:s26+$0xFFFFFFF0]  }
0x133: {  	v4 =	vld [tilespmem:s22+$0xFFFFFFC0]  }
0x134: {  	v8 =	vld [tilespmem:s22+$0xFFFFFFD0]  }
0x135: {  	v9 =	vld [tilespmem:s22+$0xFFFFFFE0]  }
0x136: {  	s23 =	simm.s32 $0x1040;
	v10 =	vld [tilespmem:s22+$0xFFFFFFF0]  }
0x137: {  	v12 =	vld [tilespmem:s23+$0x30]  }
0x138: {  	v5 =	vld [tilespmem:s26+$0x20]  }
0x139: {  	v13 =	vld [tilespmem:s22+$0x0]  }
0x13a: {  	v18 =	vld [tilespmem:s26+$0x10]  }
0x13b: {  	v14 =	vld [tilespmem:s22+$0x10]  }
0x13c: {  	v16 =	vld [tilespmem:s22+$0x20]  }
0x13d: {  	v17 =	vld [tilespmem:s22+$0x30]  }
0x13e: {  	v21 =	vld [tilespmem:s23+$0xFFFFFFC0]  }
0x13f: {  	v22 =	vld [tilespmem:s23+$0xFFFFFFE0]  }
0x140: {  	v23 =	vld [tilespmem:s23+$0x20]  }
0x141: {  	v20 =	vld.idx.msk [tilespmem:v8+s7+$0x0], $0xffff  }
0x142: {  	v8 =	vld [tilespmem:s23+$0xFFFFFFD0]  }
0x143: {  	v15 =	vld.idx.msk [tilespmem:v4+s7+$0x0], $0xffff  }
0x144: {  	v19 =	vld.idx.msk [tilespmem:v10+s7+$0x0], $0xffff;
	v10 =	vand.u32 $0xFFF, v12;
	v12 =	vsub.s32 v12, v1  }
0x145: {  	v4 =	vld [tilespmem:s26+$0x30];
	v10 =	vor.u32 $0x100000, v10;
	vm0 =	vlt.u32 v12, $0x100000  }
0x146: {  	v63 =	vsub.s32 v22, v1;
	v25 =	vld.idx.msk [tilespmem:v14+s7+$0x0], $0xffff;
	v26 =	vsel vm0, v12, v10  }
0x147: {  	v16 =	vld.idx.msk [tilespmem:v16+s7+$0x0], $0xffff;
	v10 =	vsub.s32 v21, v1;
	v24 =	vsub.s32 v8, v1;
	v8 =	vand.u32 $0xFFF, v8  }
0x148: {  	v12 =	vand.u32 $0xFFF, v21;
	vm1 =	vlt.u32 v10, $0x100000;
	v14 =	vor.u32 $0x100000, v8;
	v8 =	vld [tilespmem:s23+$0xFFFFFFF0]  }
0x149: {  	v17 =	vld.idx.msk [tilespmem:v17+s7+$0x0], $0xffff;
	v6 =	vmul.f32 v19, v6;
	v19 =	vsub.s32 v23, v1;
	vm0 =	vlt.u32 v24, $0x100000  }
0x14a: {  	s24 =	simm.s32 $0x7040;
	v20 =	vmul.f32 v20, v11;
	v21 =	vsel vm0, v24, v14;
	v14 =	vld.idx.msk [tilespmem:v9+s7+$0x0], $0xffff;
	v9 =	vand.u32 $0xFFF, v22  }
0x14b: {  	v11 =	vmul.f32 v15, v7;
	vm0 =	vlt.u32 v63, $0x100000;
	[tilespmem:s24+$0xFFFFFFD0] =	vst v21;
	v21 =	vor.u32 $0x100000, v9;
	v9 =	vld.idx.msk [tilespmem:v13+s7+$0x0], $0xffff  }
0x14c: {  	s21 =	sshll.u32 s5, $0xD;
	s25 =	simm.s32 $0x8040;
	s18 =	simm.s32 $0x70C0;
	[tilespmem:s24+$0x30] =	vst v26;
	v15 =	vld [tilespmem:s23+$0x0];
	v7 =	vmul.f32 v25, v18;
	v22 =	vand.u32 $0xFFF, v23;
	v13 =	vsel vm0, v63, v21  }
0x14d: {  	s31 =	simm.s32 $0x80C0;
	s17 =	simm.s32 $0x30C0;
	s26 =	simm.s32 $0x0;
	vm0 =	vlt.u32 v19, $0x100000;
	v21 =	vor.u32 $0x100000, v22;
	[tilespmem:s24+$0xFFFFFFE0] =	vst v13;
	v13 =	vld [tilespmem:s23+$0x10];
	v18 =	vand.u32 $0xFFF, v8  }
.LBB2_10:
0x14e: {  	v22 =	vld [tilespmem:s17+$0x0];
	s26 =	sadd.s32 $0x80, s26;
	v12 =	vor.u32 $0x100000, v12;
	[tilespmem:s25+$0xFFFFFFD0] =	vst v20;
	v19 =	vsel vm0, v19, v21;
	v5 =	vmul.f32 v16, v5;
	s23 =	sadd.s32 $0x80, s23;
	s22 =	sadd.s32 $0x80, s22  }
0x14f: {  	v21 =	vld [tilespmem:s17+$0xFFFFFFC0];
	p2 =	slt.u32 s26, $0xF80;
	v10 =	vsel vm1, v10, v12;
	v12 =	vmul.f32 v14, v3;
	[tilespmem:s24+$0x20] =	vst v19  }
0x150: {  	v9 =	vmul.f32 v9, v2;
	v3 =	vld [tilespmem:s17+$0xFFFFFFE0];
	[tilespmem:s25+$0x20] =	vst v5  }
0x151: {  	v16 =	vsub.s32 v8, v1;
	v4 =	vmul.f32 v17, v4;
	v20 =	vld [tilespmem:s17+$0xFFFFFFD0];
	[tilespmem:s25+$0xFFFFFFE0] =	vst v12;
	v5 =	vsub.s32 v15, v1  }
0x152: {  	v8 =	vor.u32 $0x100000, v18;
	vm0 =	vlt.u32 v16, $0x100000;
	v17 =	vld [tilespmem:s17+$0xFFFFFFF0];
	[tilespmem:s24+$0xFFFFFFC0] =	vst v10;
	v10 =	vsub.s32 v13, v1  }
0x153: {  	v8 =	vsel vm0, v16, v8;
	v14 =	vand.u32 $0xFFF, v15;
	vm0 =	vlt.u32 v5, $0x100000;
	v12 =	vld [tilespmem:s22+$0xFFFFFFC0];
	[tilespmem:s25+$0x30] =	vst v4;
	v2 =	vmovc v22  }
0x154: {  	v4 =	vor.u32 $0x100000, v14;
	vm1 =	vlt.u32 v10, $0x100000;
	v15 =	vld [tilespmem:s22+$0xFFFFFFD0];
	[tilespmem:s25+$0xFFFFFFC0] =	vst v11;
	v11 =	vand.u32 $0xFFF, v13  }
0x155: {  	v4 =	vsel vm0, v5, v4;
	v13 =	vld [tilespmem:s22+$0xFFFFFFE0];
	[tilespmem:s24+$0xFFFFFFF0] =	vst v8;
	v5 =	vor.u32 $0x100000, v11  }
0x156: {  	v8 =	vld [tilespmem:s22+$0xFFFFFFF0];
	[tilespmem:s24+$0x0] =	vst v4;
	v4 =	vsel vm1, v10, v5  }
0x157: {  	v10 =	vld [tilespmem:s23+$0x30];
	[tilespmem:s25+$0xFFFFFFF0] =	vst v6  }
0x158: {  	v5 =	vld [tilespmem:s17+$0x20];
	[tilespmem:s24+$0x10] =	vst v4;
	s24 =	smov.u32 s18  }
0x159: {  	v11 =	vld [tilespmem:s22+$0x0];
	[tilespmem:s25+$0x10] =	vst v7  }
0x15a: {  	v7 =	vld [tilespmem:s17+$0x10];
	[tilespmem:s25+$0x0] =	vst v9;
	s25 =	smov.u32 s31  }
0x15b: {  	v18 =	vld.idx.msk [tilespmem:v12+s7+$0x0], $0xffff  }
0x15c: {  	v6 =	vld [tilespmem:s22+$0x10];
	v9 =	vand.u32 $0xFFF, v10  }
0x15d: {  	v14 =	vld [tilespmem:s22+$0x20]  }
0x15e: {  	v4 =	vld [tilespmem:s17+$0x30]  }
0x15f: {  	v15 =	vld.idx.msk [tilespmem:v15+s7+$0x0], $0xffff  }
0x160: {  	v22 =	vld [tilespmem:s22+$0x30]  }
0x161: {  	v12 =	vld [tilespmem:s23+$0xFFFFFFD0]  }
0x162: {  	v19 =	vld.idx.msk [tilespmem:v8+s7+$0x0], $0xffff  }
0x163: {  	v9 =	vor.u32 $0x100000, v9;
	v8 =	vsub.s32 v10, v1;
	v16 =	vld [tilespmem:s23+$0xFFFFFFC0]  }
0x164: {  	vm0 =	vlt.u32 v8, $0x100000;
	v23 =	vld [tilespmem:s23+$0xFFFFFFE0]  }
0x165: {  	v25 =	vsel vm0, v8, v9;
	v24 =	vld [tilespmem:s23+$0x20]  }
0x166: {  	v9 =	vsub.s32 v12, v1;
	v8 =	vand.u32 $0xFFF, v12;
	v26 =	vld.idx.msk [tilespmem:v6+s7+$0x0], $0xffff  }
0x167: {  	vm0 =	vlt.u32 v9, $0x100000;
	v6 =	vor.u32 $0x100000, v8;
	v8 =	vld [tilespmem:s23+$0xFFFFFFF0]  }
0x168: {  	v10 =	vsub.s32 v16, v1;
	v12 =	vand.u32 $0xFFF, v16;
	v6 =	vsel vm0, v9, v6;
	v16 =	vld.idx.msk [tilespmem:v14+s7+$0x0], $0xffff  }
.Ltmp4:
0x169: {  	[tilespmem:s18+$0xFFFFFFD0] =	vst v6;
	v14 =	vld.idx.msk [tilespmem:v13+s7+$0x0], $0xffff;
	v13 =	vsub.s32 v23, v1;
	v23 =	vand.u32 $0xFFF, v23;
	v6 =	vmul.f32 v19, v17;
	(pc) =	sbr.rel @p2 .LBB2_10-.Ltmp4, $4  }
0x16a: {  	vm1 =	vlt.u32 v13, $0x100000;
	v9 =	vld.idx.msk [tilespmem:v11+s7+$0x0], $0xffff;
	v19 =	vsub.s32 v24, v1;
	v24 =	vand.u32 $0xFFF, v24  }
0x16b: {  	v20 =	vmul.f32 v15, v20;
	v15 =	vor.u32 $0x100000, v23;
	vm0 =	vlt.u32 v19, $0x100000;
	v17 =	vld.idx.msk [tilespmem:v22+s7+$0x0], $0xffff  }
0x16c: {  	v11 =	vmul.f32 v18, v21;
	v13 =	vsel vm1, v13, v15;
	v7 =	vmul.f32 v26, v7;
	v15 =	vld [tilespmem:s23+$0x0];
	[tilespmem:s18+$0x30] =	vst v25  }
0x16d: {  	s31 =	sadd.s32 $0x80, s31;
	s17 =	sadd.s32 $0x80, s17;
	vm1 =	vlt.u32 v10, $0x100000;
	v21 =	vor.u32 $0x100000, v24;
	v18 =	vand.u32 $0xFFF, v8;
	s18 =	sadd.s32 $0x80, s18;
	[tilespmem:s24+$0xFFFFFFE0] =	vst v13;
	v13 =	vld [tilespmem:s23+$0x10]  }
0x16e: {  	[tilespmem:s25+$0xFFFFFFD0] =	vst v20;
	v19 =	vsel vm0, v19, v21;
	v5 =	vmul.f32 v16, v5  }
0x16f: {  	v3 =	vmul.f32 v14, v3;
	[tilespmem:s24+$0x20] =	vst v19  }
0x170: {  	v12 =	vor.u32 $0x100000, v12;
	[tilespmem:s25+$0x20] =	vst v5  }
0x171: {  	v5 =	vsel vm1, v10, v12;
	[tilespmem:s25+$0xFFFFFFE0] =	vst v3;
	v3 =	vmul.f32 v17, v4  }
0x172: {  	v4 =	vsub.s32 v8, v1;
	v8 =	vsub.s32 v15, v1;
	[tilespmem:s24+$0xFFFFFFC0] =	vst v5  }
0x173: {  	vm0 =	vlt.u32 v4, $0x100000;
	v5 =	vor.u32 $0x100000, v18;
	v10 =	vand.u32 $0xFFF, v15;
	[tilespmem:s25+$0x30] =	vst v3  }
0x174: {  	v3 =	vsel vm0, v4, v5;
	vm0 =	vlt.u32 v8, $0x100000;
	[tilespmem:s25+$0xFFFFFFC0] =	vst v11;
	v4 =	vor.u32 $0x100000, v10  }
0x175: {  	v5 =	vsub.s32 v13, v1;
	v10 =	vand.u32 $0xFFF, v13;
	[tilespmem:s24+$0xFFFFFFF0] =	vst v3;
	v3 =	vsel vm0, v8, v4  }
0x176: {  	vm0 =	vlt.u32 v5, $0x100000;
	v4 =	vor.u32 $0x100000, v10;
	[tilespmem:s24+$0x0] =	vst v3  }
0x177: {  	v2 =	vmul.f32 v9, v2;
	v3 =	vsel vm0, v5, v4;
	[tilespmem:s25+$0xFFFFFFF0] =	vst v6  }
0x178: {  	p2 =	seq.s32 s5, $0x3F;
	[tilespmem:s24+$0x10] =	vst v3  }
0x179: {  	s17 =	sadd.s32 @!p2 s21, s28;
	[tilespmem:s25+$0x0] =	vst v2  }
0x17a: {  	s17 =	sshrl.u32 @!p2 s17, $0x3;
	[tilespmem:s25+$0x10] =	vst v7  }
0x17b: {  	[spmem:s6] =	stream.indirect.scatter.add.f32 [tilespmem:s15], [sflag:$0x3], $0x1, s14, s0, $0xb8;
	[tilespmem:$0x1EB00] =	vst v63  }
0x17c: {  	s22 =	simm.s32 @!p2 $0x0;
	s23 =	simm.s32 @!p2 $0x1000;
	s18 =	sadd.s32 @!p2 s1, s17  }
0x17d: {  	[tilespmem:s23], [sflag:$0x1] =	stream.linear.gather @!p2 [hbm4b:s18+s22], $0x1000, $0x38;
	[tilespmem:$0x1EB00] =	vst v63  }
0x17e: {  	s18 =	sadd.s32 @!p2 s3, s17;
	s23 =	simm.s32 @!p2 $0x2000  }
0x17f: {  	[tilespmem:s23], [sflag:$0x1] =	stream.linear.gather @!p2 [hbm4b:s18+s22], $0x1000, $0x38;
	[tilespmem:$0x1EB00] =	vst v63  }
0x180: {  	s17 =	sadd.s32 @!p2 s4, s17;
	s18 =	simm.s32 @!p2 $0x3000  }
0x181: {  	[tilespmem:s18], [sflag:$0x1] =	stream.linear.gather @!p2 [hbm4b:s17+s22], $0x1000, $0x38;
	[tilespmem:$0x1EB00] =	vst v63  }
0x182: {  	_ =	swait.ge [sflag:s16], $0x1000  }
0x183: {  	[sflag:s16] =	ssyncset.done $0x0  }
0x184: {  	[sflag:s16] =	ssyncadd.s32 $0xFFFFF000  }
0x185: {  	_ =	swait.ge [sflag:s16], $0x1000  }
0x186: {  	[sflag:s16] =	ssyncset.done $0x0  }
0x187: {  	[sflag:s16] =	ssyncadd.s32 $0xFFFFF000  }
0x188: {  	_ =	swait.ge [sflag:s16], $0x1000  }
0x189: {  	[sflag:s16] =	ssyncset.done $0x0  }
0x18a: {  	s17 =	simm.s32 @!p1 $0x4;
	[sflag:s16] =	ssyncadd.s32 $0xFFFFF000  }
0x18b: {  	_ =	swait.ge @!p1 [sflag:s17], $0x1000  }
0x18c: {  	[sflag:s17] =	ssyncset.done @!p1 $0x0  }
0x18d: {  	s26 =	simm.s32 $0x6040;
	[sflag:s17] =	ssyncadd.s32 @!p1 $0xFFFFF000  }
0x18e: {  	v2 =	vld [tilespmem:s26+$0x0]  }
0x18f: {  	v7 =	vld [tilespmem:s26+$0xFFFFFFC0]  }
0x190: {  	v3 =	vld [tilespmem:s26+$0xFFFFFFE0]  }
0x191: {  	v11 =	vld [tilespmem:s26+$0xFFFFFFD0]  }
0x192: {  	s22 =	simm.s32 $0x5040;
	v6 =	vld [tilespmem:s26+$0xFFFFFFF0]  }
0x193: {  	v4 =	vld [tilespmem:s22+$0xFFFFFFC0]  }
0x194: {  	v8 =	vld [tilespmem:s22+$0xFFFFFFD0]  }
0x195: {  	v9 =	vld [tilespmem:s22+$0xFFFFFFE0]  }
0x196: {  	s23 =	simm.s32 $0x4040;
	v10 =	vld [tilespmem:s22+$0xFFFFFFF0]  }
0x197: {  	v12 =	vld [tilespmem:s23+$0x30]  }
0x198: {  	v5 =	vld [tilespmem:s26+$0x20]  }
0x199: {  	v15 =	vld [tilespmem:s22+$0x0]  }
0x19a: {  	v18 =	vld [tilespmem:s26+$0x10]  }
0x19b: {  	v13 =	vld [tilespmem:s22+$0x10]  }
0x19c: {  	v14 =	vld [tilespmem:s22+$0x20]  }
0x19d: {  	v17 =	vld [tilespmem:s22+$0x30]  }
0x19e: {  	v16 =	vld [tilespmem:s23+$0xFFFFFFC0]  }
0x19f: {  	v22 =	vld [tilespmem:s23+$0xFFFFFFE0]  }
0x1a0: {  	v23 =	vld [tilespmem:s23+$0x20]  }
0x1a1: {  	v20 =	vld.idx.msk [tilespmem:v8+s7+$0x0], $0xffff  }
0x1a2: {  	v8 =	vld [tilespmem:s23+$0xFFFFFFD0]  }
0x1a3: {  	v21 =	vld.idx.msk [tilespmem:v4+s7+$0x0], $0xffff  }
0x1a4: {  	v19 =	vld.idx.msk [tilespmem:v10+s7+$0x0], $0xffff;
	v10 =	vand.u32 $0xFFF, v12;
	v12 =	vsub.s32 v12, v1  }
0x1a5: {  	v25 =	vld.idx.msk [tilespmem:v13+s7+$0x0], $0xffff;
	v10 =	vor.u32 $0x100000, v10;
	vm0 =	vlt.u32 v12, $0x100000  }
0x1a6: {  	v13 =	vand.u32 $0xFFF, v16;
	v12 =	vsel vm0, v12, v10;
	v10 =	vsub.s32 v16, v1;
	v16 =	vld.idx.msk [tilespmem:v14+s7+$0x0], $0xffff  }
0x1a7: {  	v14 =	vld.idx.msk [tilespmem:v9+s7+$0x0], $0xffff;
	v24 =	vsub.s32 v8, v1;
	v8 =	vand.u32 $0xFFF, v8  }
0x1a8: {  	v63 =	vsub.s32 v22, v1;
	v9 =	vand.u32 $0xFFF, v22;
	v26 =	vor.u32 $0x100000, v8;
	v8 =	vld [tilespmem:s23+$0xFFFFFFF0]  }
0x1a9: {  	v4 =	vld [tilespmem:s26+$0x30];
	v22 =	vor.u32 $0x100000, v9;
	vm1 =	vlt.u32 v10, $0x100000;
	v6 =	vmul.f32 v19, v6  }
0x1aa: {  	s24 =	simm.s32 $0x9040;
	v17 =	vld.idx.msk [tilespmem:v17+s7+$0x0], $0xffff;
	v19 =	vsub.s32 v23, v1;
	v23 =	vand.u32 $0xFFF, v23;
	vm0 =	vlt.u32 v24, $0x100000  }
0x1ab: {  	v9 =	vld.idx.msk [tilespmem:v15+s7+$0x0], $0xffff;
	[tilespmem:s24+$0x30] =	vst v12;
	v20 =	vmul.f32 v20, v11;
	v24 =	vsel vm0, v24, v26;
	vm0 =	vlt.u32 v63, $0x100000  }
0x1ac: {  	s31 =	simm.s32 $0xA0C0;
	s25 =	simm.s32 $0xA040;
	v15 =	vld [tilespmem:s23+$0x0];
	v11 =	vmul.f32 v21, v7;
	v7 =	vmul.f32 v25, v18;
	[tilespmem:s24+$0xFFFFFFD0] =	vst v24;
	v22 =	vsel vm0, v63, v22  }
0x1ad: {  	s18 =	simm.s32 $0x90C0;
	s17 =	simm.s32 $0x60C0;
	s26 =	simm.s32 $0x0;
	v12 =	vld [tilespmem:s23+$0x10];
	v21 =	vor.u32 $0x100000, v23;
	vm0 =	vlt.u32 v19, $0x100000;
	[tilespmem:s24+$0xFFFFFFE0] =	vst v22;
	v18 =	vand.u32 $0xFFF, v8  }
.LBB2_12:
0x1ae: {  	v22 =	vld [tilespmem:s17+$0x0];
	s26 =	sadd.s32 $0x80, s26;
	v13 =	vor.u32 $0x100000, v13;
	[tilespmem:s25+$0xFFFFFFD0] =	vst v20;
	v19 =	vsel vm0, v19, v21;
	v5 =	vmul.f32 v16, v5;
	s23 =	sadd.s32 $0x80, s23;
	s22 =	sadd.s32 $0x80, s22  }
0x1af: {  	v21 =	vld [tilespmem:s17+$0xFFFFFFC0];
	p1 =	slt.u32 s26, $0xF80;
	v10 =	vsel vm1, v10, v13;
	v13 =	vmul.f32 v14, v3;
	[tilespmem:s24+$0x20] =	vst v19  }
0x1b0: {  	v9 =	vmul.f32 v9, v2;
	v3 =	vld [tilespmem:s17+$0xFFFFFFE0];
	[tilespmem:s25+$0x20] =	vst v5  }
0x1b1: {  	v16 =	vsub.s32 v8, v1;
	v4 =	vmul.f32 v17, v4;
	v20 =	vld [tilespmem:s17+$0xFFFFFFD0];
	[tilespmem:s25+$0xFFFFFFE0] =	vst v13;
	v5 =	vsub.s32 v15, v1  }
0x1b2: {  	v8 =	vor.u32 $0x100000, v18;
	vm0 =	vlt.u32 v16, $0x100000;
	v17 =	vld [tilespmem:s17+$0xFFFFFFF0];
	[tilespmem:s24+$0xFFFFFFC0] =	vst v10;
	v10 =	vsub.s32 v12, v1  }
0x1b3: {  	v8 =	vsel vm0, v16, v8;
	v14 =	vand.u32 $0xFFF, v15;
	vm0 =	vlt.u32 v5, $0x100000;
	v13 =	vld [tilespmem:s22+$0xFFFFFFC0];
	[tilespmem:s25+$0x30] =	vst v4;
	v2 =	vmovc v22  }
0x1b4: {  	v4 =	vor.u32 $0x100000, v14;
	vm1 =	vlt.u32 v10, $0x100000;
	v15 =	vld [tilespmem:s22+$0xFFFFFFD0];
	[tilespmem:s25+$0xFFFFFFC0] =	vst v11;
	v11 =	vand.u32 $0xFFF, v12  }
0x1b5: {  	v4 =	vsel vm0, v5, v4;
	v12 =	vld [tilespmem:s22+$0xFFFFFFE0];
	[tilespmem:s24+$0xFFFFFFF0] =	vst v8;
	v5 =	vor.u32 $0x100000, v11  }
0x1b6: {  	v8 =	vld [tilespmem:s22+$0xFFFFFFF0];
	[tilespmem:s24+$0x0] =	vst v4;
	v4 =	vsel vm1, v10, v5  }
0x1b7: {  	v10 =	vld [tilespmem:s23+$0x30];
	[tilespmem:s25+$0xFFFFFFF0] =	vst v6  }
0x1b8: {  	v5 =	vld [tilespmem:s17+$0x20];
	[tilespmem:s24+$0x10] =	vst v4;
	s24 =	smov.u32 s18  }
0x1b9: {  	v11 =	vld [tilespmem:s22+$0x0];
	[tilespmem:s25+$0x10] =	vst v7  }
0x1ba: {  	v7 =	vld [tilespmem:s17+$0x10];
	[tilespmem:s25+$0x0] =	vst v9;
	s25 =	smov.u32 s31  }
0x1bb: {  	v18 =	vld.idx.msk [tilespmem:v13+s7+$0x0], $0xffff  }
0x1bc: {  	v6 =	vld [tilespmem:s22+$0x10];
	v9 =	vand.u32 $0xFFF, v10  }
0x1bd: {  	v14 =	vld [tilespmem:s22+$0x20]  }
0x1be: {  	v4 =	vld [tilespmem:s17+$0x30]  }
0x1bf: {  	v15 =	vld.idx.msk [tilespmem:v15+s7+$0x0], $0xffff  }
0x1c0: {  	v22 =	vld [tilespmem:s22+$0x30]  }
0x1c1: {  	v13 =	vld [tilespmem:s23+$0xFFFFFFD0]  }
0x1c2: {  	v19 =	vld.idx.msk [tilespmem:v8+s7+$0x0], $0xffff  }
0x1c3: {  	v9 =	vor.u32 $0x100000, v9;
	v8 =	vsub.s32 v10, v1;
	v16 =	vld [tilespmem:s23+$0xFFFFFFC0]  }
0x1c4: {  	vm0 =	vlt.u32 v8, $0x100000;
	v23 =	vld [tilespmem:s23+$0xFFFFFFE0]  }
0x1c5: {  	v25 =	vsel vm0, v8, v9;
	v24 =	vld [tilespmem:s23+$0x20]  }
0x1c6: {  	v9 =	vsub.s32 v13, v1;
	v8 =	vand.u32 $0xFFF, v13;
	v26 =	vld.idx.msk [tilespmem:v6+s7+$0x0], $0xffff  }
0x1c7: {  	vm0 =	vlt.u32 v9, $0x100000;
	v6 =	vor.u32 $0x100000, v8;
	v8 =	vld [tilespmem:s23+$0xFFFFFFF0]  }
0x1c8: {  	v10 =	vsub.s32 v16, v1;
	v13 =	vand.u32 $0xFFF, v16;
	v6 =	vsel vm0, v9, v6;
	v16 =	vld.idx.msk [tilespmem:v14+s7+$0x0], $0xffff  }
.Ltmp5:
0x1c9: {  	[tilespmem:s18+$0xFFFFFFD0] =	vst v6;
	v14 =	vld.idx.msk [tilespmem:v12+s7+$0x0], $0xffff;
	v12 =	vsub.s32 v23, v1;
	v23 =	vand.u32 $0xFFF, v23;
	v6 =	vmul.f32 v19, v17;
	(pc) =	sbr.rel @p1 .LBB2_12-.Ltmp5, $4  }
0x1ca: {  	vm1 =	vlt.u32 v12, $0x100000;
	v9 =	vld.idx.msk [tilespmem:v11+s7+$0x0], $0xffff;
	v19 =	vsub.s32 v24, v1;
	v24 =	vand.u32 $0xFFF, v24  }
0x1cb: {  	v20 =	vmul.f32 v15, v20;
	v15 =	vor.u32 $0x100000, v23;
	vm0 =	vlt.u32 v19, $0x100000;
	v17 =	vld.idx.msk [tilespmem:v22+s7+$0x0], $0xffff  }
0x1cc: {  	v11 =	vmul.f32 v18, v21;
	v12 =	vsel vm1, v12, v15;
	v7 =	vmul.f32 v26, v7;
	v15 =	vld [tilespmem:s23+$0x0];
	[tilespmem:s18+$0x30] =	vst v25  }
0x1cd: {  	s31 =	sadd.s32 $0x80, s31;
	s17 =	sadd.s32 $0x80, s17;
	vm1 =	vlt.u32 v10, $0x100000;
	v21 =	vor.u32 $0x100000, v24;
	v18 =	vand.u32 $0xFFF, v8;
	s18 =	sadd.s32 $0x80, s18;
	[tilespmem:s24+$0xFFFFFFE0] =	vst v12;
	v12 =	vld [tilespmem:s23+$0x10]  }
0x1ce: {  	[tilespmem:s25+$0xFFFFFFD0] =	vst v20;
	v19 =	vsel vm0, v19, v21;
	v5 =	vmul.f32 v16, v5  }
0x1cf: {  	v3 =	vmul.f32 v14, v3;
	[tilespmem:s24+$0x20] =	vst v19  }
0x1d0: {  	v13 =	vor.u32 $0x100000, v13;
	[tilespmem:s25+$0x20] =	vst v5  }
0x1d1: {  	v55 =	vsel vm1, v10, v13;
	[tilespmem:s25+$0xFFFFFFE0] =	vst v3  }
0x1d2: {  	v56 =	vsub.s32 v8, v1;
	v58 =	vor.u32 $0x100000, v18;
	v3 =	vmul.f32 v17, v4;
	[tilespmem:s24+$0xFFFFFFC0] =	vst v55  }
0x1d3: {  	vm13 =	vlt.u32 v56, $0x100000;
	v57 =	vsub.s32 v15, v1;
	v59 =	vand.u32 $0xFFF, v15;
	[tilespmem:s25+$0xFFFFFFC0] =	vst v11  }
0x1d4: {  	[tilespmem:s25+$0x30] =	vst v3;
	v3 =	vsel vm13, v56, v58;
	vm14 =	vlt.u32 v57, $0x100000;
	v60 =	vor.u32 $0x100000, v59  }
0x1d5: {  	v61 =	vsub.s32 v12, v1;
	v62 =	vand.u32 $0xFFF, v12;
	[tilespmem:s24+$0xFFFFFFF0] =	vst v3;
	v3 =	vsel vm14, v57, v60  }
0x1d6: {  	vm15 =	vlt.u32 v61, $0x100000;
	v63 =	vor.u32 $0x100000, v62;
	[tilespmem:s24+$0x0] =	vst v3  }
.Ltmp6:
0x1d7: {  	v2 =	vmul.f32 v9, v2;
	v3 =	vsel vm15, v61, v63;
	[tilespmem:s25+$0xFFFFFFF0] =	vst v6;
	(pc) =	sbr.rel @p2 .LBB2_15-.Ltmp6, $4  }
0x1d8: {  	[tilespmem:s24+$0x10] =	vst v3  }
0x1d9: {  	[tilespmem:s25+$0x0] =	vst v2  }
0x1da: {  	[tilespmem:s25+$0x10] =	vst v7  }
0x1db: {  	[spmem:s6] =	stream.indirect.scatter.add.f32 [tilespmem:s8], [sflag:$0x4], $0x1, s9, s0, $0xb8;
	[tilespmem:$0x1EB00] =	vst v63  }
0x1dc: {  	s17 =	sadd.s32 s21, s29  }
0x1dd: {  	s17 =	sshrl.u32 s17, $0x3  }
0x1de: {  	s18 =	sadd.s32 s1, s17  }
0x1df: {  	[tilespmem:s10], [sflag:$0x2] =	stream.linear.gather [hbm4b:s18+s7], $0x1000, $0x38;
	[tilespmem:$0x1EB00] =	vst v63  }
.Ltmp7:
0x1e0: {  	_ = 	snop;
	(pc) =	sbr.rel .LBB2_9-.Ltmp7, $4  }
0x1e1: {  	s31 =	sadd.s32 s3, s17  }
0x1e2: {  	[tilespmem:s11], [sflag:$0x2] =	stream.linear.gather [hbm4b:s31+s7], $0x1000, $0x38;
	[tilespmem:$0x1EB00] =	vst v63  }
0x1e3: {  	s5 =	sadd.s32 $0x1, s5;
	s17 =	sadd.s32 s4, s17  }
0x1e4: {  	[tilespmem:s12], [sflag:$0x2] =	stream.linear.gather [hbm4b:s17+s7], $0x1000, $0x38;
	[tilespmem:$0x1EB00] =	vst v63  }
.LBB2_15:
0x1e5: {  	s5 =	simm.s32 $0x3  }
0x1e6: {  	_ =	swait.ge [sflag:s5], $0x1000  }
0x1e7: {  	[sflag:s5] =	ssyncset.done $0x0  }
0x1e8: {  	s24 =	simm.s32 $0x4;
	[sflag:s5] =	ssyncadd.s32 $0xFFFFF000  }
0x1e9: {  	_ =	swait.ge [sflag:s24], $0x1000  }
0x1ea: {  	[sflag:s24] =	ssyncset.done $0x0  }
0x1eb: {  	[sflag:s24] =	ssyncadd.s32 $0xFFFFF000  }
0x1ec: {  	[bflag:$0x0] =	sbarrier.arrive $0xFFFF  }
0x1ed: {  	s25 =	rddreg [dreg:$0xd]  }
0x1ee: {  	[hbm:s25], [sflag:s19] =	dma.local [spmem:s30], $0x2000  }
0x1ef: {  	_ =	swait.ge [sflag:s2], $0x2000  }
0x1f0: {  	[sflag:s2] =	ssyncset.done $0x0  }
0x1f1: {  	[sflag:s2] =	ssyncadd.s32 $0xFFFFE000  }
0x1f2: {  	[bflag:$0x0] =	sbarrier.arrive $0xFFFF  }
0x1f3: {  	s26 =	simm.s32 $0x0;
	s22 =	simm.s32 $0xB000;
	s17 =	rddreg [dreg:$0xe]  }
0x1f4: {  	[tilespmem:s22], [sflag:$0x5] =	stream.linear.gather [hbm4b:s17+s26], $0xB60, $0x38;
	[tilespmem:$0x1EB00] =	vst v63  }
0x1f5: {  	_ =	swait.ge [sflag:s2], $0xB60  }
0x1f6: {  	[sflag:s2] =	ssyncset.done $0x0  }
0x1f7: {  	s23 =	simm.s32 $0xBB80;
	s30 =	rddreg [dreg:$0xf];
	[sflag:s2] =	ssyncadd.s32 $0xFFFFF4A0  }
0x1f8: {  	[tilespmem:s23], [sflag:$0x5] =	stream.linear.gather [hbm4b:s30+s26], $0xB60, $0x38;
	[tilespmem:$0x1EB00] =	vst v63  }
0x1f9: {  	_ =	swait.ge [sflag:s2], $0xB60  }
0x1fa: {  	[sflag:s2] =	ssyncset.done $0x0  }
0x1fb: {  	s24 =	simm.s32 $0xC700;
	s31 =	rddreg [dreg:$0x10];
	[sflag:s2] =	ssyncadd.s32 $0xFFFFF4A0  }
0x1fc: {  	[tilespmem:s24], [sflag:$0x5] =	stream.linear.gather [hbm4b:s31+s26], $0xB60, $0x38;
	[tilespmem:$0x1EB00] =	vst v63  }
0x1fd: {  	_ =	swait.ge [sflag:s2], $0xB60  }
0x1fe: {  	[sflag:s2] =	ssyncset.done $0x0  }
0x1ff: {  	s5 =	simm.s32 $0x0;
	[sflag:s2] =	ssyncadd.s32 $0xFFFFF4A0  }
0x200: {  	v3 =	vld [tilespmem:s5+$0xBB80];
	_ =	sdelay $0x2  }
0x201: {  	v4 =	vld [tilespmem:s5+$0xB000];
	_ =	sdelay $0x3  }
0x202: {  	s18 =	simm.s32 $0x80;
	v2 =	vld [tilespmem:s5+$0xC700]  }
0x203: {  	s25 =	simm.s32 $0xB60;
	s17 =	simm.s32 $0x10;
	s26 =	simm.s32 $0xD280;
	v3 =	vld.idx.msk [tilespmem:v3+s7+$0x0], $0xffff;
	[tilespmem:s5+$0xD280] =	vst v4  }
.LBB2_16:
0x204: {  	p1 =	sne.s32 s18, $0x2D40;
	v4 =	vld [tilespmem:s17+$0xBB80];
	_ =	sdelay $0x2  }
0x205: {  	v5 =	vld [tilespmem:s17+$0xB000]  }
.Ltmp8:
0x206: {  	(pc) =	sbr.rel @p1 .LBB2_16-.Ltmp8, $3  }
0x207: {  	v3 =	vmul.f32 v3, v2;
	_ =	sdelay $0x1  }
0x208: {  	v2 =	vld [tilespmem:s17+$0xC700];
	[tilespmem:s5+$0xDE00] =	vst v3;
	s5 =	smov.u32 s17  }
0x209: {  	s17 =	sshra.s32 s18, $0x2;
	s18 =	sadd.s32 $0x40, s18;
	v3 =	vld.idx.msk [tilespmem:v4+s7+$0x0], $0xffff;
	[tilespmem:s5+$0xD280] =	vst v5  }
0x20a: {  	v4 =	vld [tilespmem:s17+$0xBB80];
	_ =	sdelay $0x4  }
0x20b: {  	v2 =	vmul.f32 v3, v2  }
0x20c: {  	v5 =	vld [tilespmem:s17+$0xB000]  }
0x20d: {  	v3 =	vld [tilespmem:s17+$0xC700];
	[tilespmem:s5+$0xDE00] =	vst v2  }
0x20e: {  	v2 =	vld.idx.msk [tilespmem:v4+s7+$0x0], $0xffff;
	_ =	sdelay $0x4  }
0x20f: {  	v2 =	vmul.f32 v2, v3  }
0x210: {  	[tilespmem:s17+$0xD280] =	vst v5  }
0x211: {  	s21 =	rddreg [dreg:$0x6];
	s30 =	simm.s32 $0xDE00;
	[tilespmem:s17+$0xDE00] =	vst v2  }
0x212: {  	[spmem:s21] =	stream.indirect.scatter.add.f32 [tilespmem:s30], [sflag:$0x5], $0x1, s26, s25, $0xb8;
	[tilespmem:$0x1EB00] =	vst v63  }
0x213: {  	_ =	swait.ge [sflag:s2], $0xB60  }
0x214: {  	[sflag:s2] =	ssyncset.done $0x0  }
0x215: {  	s5 =	simm.s32 $0x0;
	s18 =	rddreg [dreg:$0x11];
	[sflag:s2] =	ssyncadd.s32 $0xFFFFF4A0  }
0x216: {  	[tilespmem:s22], [sflag:$0x5] =	stream.linear.gather [hbm4b:s18+s5], $0xB60, $0x38;
	[tilespmem:$0x1EB00] =	vst v63  }
0x217: {  	_ =	swait.ge [sflag:s2], $0xB60  }
0x218: {  	[sflag:s2] =	ssyncset.done $0x0  }
0x219: {  	s22 =	rddreg [dreg:$0x12];
	[sflag:s2] =	ssyncadd.s32 $0xFFFFF4A0  }
0x21a: {  	[tilespmem:s23], [sflag:$0x5] =	stream.linear.gather [hbm4b:s22+s5], $0xB60, $0x38;
	[tilespmem:$0x1EB00] =	vst v63  }
0x21b: {  	_ =	swait.ge [sflag:s2], $0xB60  }
0x21c: {  	[sflag:s2] =	ssyncset.done $0x0  }
0x21d: {  	s31 =	rddreg [dreg:$0x13];
	[sflag:s2] =	ssyncadd.s32 $0xFFFFF4A0  }
0x21e: {  	[tilespmem:s24], [sflag:$0x5] =	stream.linear.gather [hbm4b:s31+s5], $0xB60, $0x38;
	[tilespmem:$0x1EB00] =	vst v63  }
0x21f: {  	_ =	swait.ge [sflag:s2], $0xB60  }
0x220: {  	[sflag:s2] =	ssyncset.done $0x0  }
0x221: {  	s5 =	simm.s32 $0x0;
	[sflag:s2] =	ssyncadd.s32 $0xFFFFF4A0  }
0x222: {  	v3 =	vld [tilespmem:s5+$0xBB80];
	_ =	sdelay $0x2  }
0x223: {  	v4 =	vld [tilespmem:s5+$0xB000];
	_ =	sdelay $0x3  }
0x224: {  	v2 =	vld [tilespmem:s5+$0xC700]  }
0x225: {  	s17 =	simm.s32 $0x10;
	s18 =	simm.s32 $0x80;
	v3 =	vld.idx.msk [tilespmem:v3+s7+$0x0], $0xffff;
	[tilespmem:s5+$0xD280] =	vst v4  }
.LBB2_18:
0x226: {  	p1 =	sne.s32 s18, $0x2D40;
	v4 =	vld [tilespmem:s17+$0xBB80];
	_ =	sdelay $0x2  }
0x227: {  	v5 =	vld [tilespmem:s17+$0xB000]  }
.Ltmp9:
0x228: {  	(pc) =	sbr.rel @p1 .LBB2_18-.Ltmp9, $3  }
0x229: {  	v3 =	vmul.f32 v3, v2;
	_ =	sdelay $0x1  }
0x22a: {  	v2 =	vld [tilespmem:s17+$0xC700];
	[tilespmem:s5+$0xDE00] =	vst v3;
	s5 =	smov.u32 s17  }
0x22b: {  	s17 =	sshra.s32 s18, $0x2;
	s18 =	sadd.s32 $0x40, s18;
	v3 =	vld.idx.msk [tilespmem:v4+s7+$0x0], $0xffff;
	[tilespmem:s5+$0xD280] =	vst v5  }
0x22c: {  	v4 =	vld [tilespmem:s17+$0xBB80];
	_ =	sdelay $0x4  }
0x22d: {  	v2 =	vmul.f32 v3, v2  }
0x22e: {  	v5 =	vld [tilespmem:s17+$0xB000]  }
0x22f: {  	v3 =	vld [tilespmem:s17+$0xC700];
	[tilespmem:s5+$0xDE00] =	vst v2  }
0x230: {  	v2 =	vld.idx.msk [tilespmem:v4+s7+$0x0], $0xffff;
	_ =	sdelay $0x4  }
0x231: {  	v2 =	vmul.f32 v2, v3  }
0x232: {  	[tilespmem:s17+$0xD280] =	vst v5  }
0x233: {  	[tilespmem:s17+$0xDE00] =	vst v2  }
0x234: {  	[spmem:s21] =	stream.indirect.scatter.add.f32 [tilespmem:s30], [sflag:$0x5], $0x1, s26, s25, $0xb8;
	[tilespmem:$0x1EB00] =	vst v63  }
0x235: {  	_ =	swait.ge [sflag:s2], $0xB60  }
0x236: {  	[sflag:s2] =	ssyncset.done $0x0  }
0x237: {  	[sflag:s2] =	ssyncadd.s32 $0xFFFFF4A0  }
0x238: {  	[bflag:$0x0] =	sbarrier.arrive $0xFFFF  }
0x239: {  	s18 =	simm.s32 @!p0 $0x10;
	s22 =	rddreg [dreg:$0x1b]  }
0x23a: {  	s5 =	simm.s32 @!p0 $0x1;
	s17 =	simm.s32 @!p0 $0x20;
	s23 =	rddreg [dreg:$0x1d]  }
0x23b: {  	[hbm:s22@s17], [sflag:s19] =	dma.strided @!p0 [spmem:s23@s18], $0x100, s5, $0x10   }
0x23c: {  	s5 =	simm.s32 @!p0 $0x5  }
0x23d: {  	_ =	swait.ge @!p0 [sflag:s5], $0x100  }
0x23e: {  	s20 =	sadd.s32 $0x1, s20;
	s31 =	rddreg [dreg:$0x1c]  }
0x23f: {  	p1 =	sne.s32 s20, s31  }
.Ltmp10:
0x240: {  	_ = 	snop;
	(pc) =	sbr.rel @p1 .LBB2_1-.Ltmp10, $3  }
0x241: {  	_ =	sdelay $0x1  }
0x242: {  	[sflag:s5] =	ssyncset.done @!p0 $0x0  }
0x243: {  	[sflag:s5] =	ssyncadd.s32 @!p0 $0xFFFFFF00  }
0x244: {  	_ =	sfence.sel $0x180000  }
0x245: {  	[bflag:$0x0] =	sbarrier.arrive $0xFFFF  }
0x246: {  	_ =	strace $0x90000047  }
0x247: {  	[bflag:$0x2] =	sbarrier.arrive $0xFFFF  }
0x248: {  	s0 =	rddreg [dreg:$0x8]  }
0x249: {  	s0 =	sadd.s32 @!p0 $0x100000, s0  }
0x24a: {  	[sflag:s0] =	ssyncadd.tile.s32 @!p0 $0x1;
	_ =	shalt  }
.Lfunc_end2:
_tile_overlayer_lowered:
.L_overlay_start_2:
0x24b: {  	(tag) =	ssettag $0x2  }
0x24c: {  	s0 =	rddreg [dreg:$0x0];
	s2 =	stileid.u32  }
0x24d: {  	s1 =	rddreg [dreg:$0x1];
	p0 =	sne.s32 s2, $0x0  }
0x24e: {  	s3 =	rddreg [dreg:$0x2];
	[bflag:$0x3] =	sbarrier.arrive $0xFFFF;
	s2 =	simm.s32 @!p0 $0x1C05  }
0x24f: {  	[timem:s3], [sflag:s2] =	dma.local @!p0 [hbm:s0], s1  }
0x250: {  	s0 =	simm.s32 @!p0 $0x5  }
0x251: {  	_ =	swait.ge @!p0 [sflag:s0], s1  }
0x252: {  	s1 =	ssub.s32 @!p0 $0x0, s1;
	[sflag:s0] =	ssyncset.done @!p0 $0x0  }
0x253: {  	[sflag:s0] =	ssyncadd.s32 @!p0 s1  }
0x254: {  	[bflag:$0x3] =	sbarrier.arrive $0xFFFF  }
0x255: {  	_ =	shalt  }

</sc_bundles>
